<compile_context>
chip_gen: v7x
topology: tpu7x:2x2x1
jax: 0.10.2.dev20260603
libtpu: 0.0.44.dev20260713+nightly
codegen_flags: <defaults>
</compile_context>

<pallas_src>
import functools

import jax
import jax.numpy as jnp
from jax import lax
from jax.experimental import pallas as pl
from jax.experimental.pallas import tpu as pltpu
from jax.experimental.pallas import tpu_sc as plsc

_NC = 2
_NS = 16
_NW = _NC * _NS
_L = 16

_BATCH = 16384
_DIM = 128
_RPW = _BATCH // _NW
_CH = 128
_NCHUNKS = _RPW // _CH
_NSLICES = _DIM // _L


def _make_sc_film():
    mesh = plsc.VectorSubcoreMesh(core_axis_name="c", subcore_axis_name="s")

    @functools.partial(
        pl.kernel,
        mesh=mesh,
        out_type=jax.ShapeDtypeStruct((_BATCH, _DIM), jnp.float32),
        scratch_types=[
            pltpu.VMEM((2, _CH, _DIM), jnp.float32),
            pltpu.VMEM((2, _CH, _DIM), jnp.float32),
            pltpu.VMEM((2, _DIM), jnp.float32),
            pltpu.VMEM((2, _DIM), jnp.float32),
            pltpu.VMEM((_L,), jnp.float32),
            pltpu.SemaphoreType.DMA((2,)),
            pltpu.SemaphoreType.DMA((2,)),
        ],
    )
    def sc_film(x_hbm, g_hbm, b_hbm, t_hbm, o_hbm,
                xin, xout, gv, bv, tv, insem, outsem):
        wid = lax.axis_index("s") * _NC + lax.axis_index("c")
        base = wid * _RPW

        pltpu.sync_copy(g_hbm, gv)
        pltpu.sync_copy(b_hbm, bv)
        pltpu.sync_copy(t_hbm, tv)
        w1 = tv[...]
        gsel = []
        bsel = []
        for c in range(_NSLICES):
            g0 = gv[0, pl.ds(c * _L, _L)]
            g1 = gv[1, pl.ds(c * _L, _L)]
            b0 = bv[0, pl.ds(c * _L, _L)]
            b1 = bv[1, pl.ds(c * _L, _L)]
            gsel.append(g0 + (g1 - g0) * w1)
            bsel.append(b0 + (b1 - b0) * w1)

        def cin(k):
            return pltpu.make_async_copy(
                x_hbm.at[pl.ds(base + k * _CH, _CH), :],
                xin.at[k % 2], insem.at[k % 2])

        def cout(k):
            return pltpu.make_async_copy(
                xout.at[k % 2], o_hbm.at[pl.ds(base + k * _CH, _CH), :],
                outsem.at[k % 2])

        cin(0).start()
        for k in range(_NCHUNKS):
            if k + 1 < _NCHUNKS:
                cin(k + 1).start()
            cin(k).wait()
            if k >= 2:
                cout(k - 2).wait()
            s = k % 2

            def row_body(i, carry):
                for c in range(_NSLICES):
                    xv = xin[s, i, pl.ds(c * _L, _L)]
                    xout[s, i, pl.ds(c * _L, _L)] = xv * gsel[c] + bsel[c]
                return carry

            lax.fori_loop(0, _CH, row_body, 0)
            cout(k).start()
        cout(_NCHUNKS - 2).wait()
        cout(_NCHUNKS - 1).wait()

    return sc_film


_SC_FILM = _make_sc_film()


def kernel(x, gamma_w, beta_w, task_id):
    tt = jnp.full((_L,), jnp.asarray(task_id, jnp.float32))
    return _SC_FILM(x, gamma_w, beta_w, tt)

# --- scband reference (transcript-rebuilt; emitter-appended) ---
"""Pipeline reference for scband-fi-lmlayer-18511309046437 (READ-ONLY COPY).

The authoritative reference and input builder live on the scoring server;
editing this copy changes nothing except your own understanding.
"""

import jax, jax.numpy as jnp
import numpy as np

DIM = 128
NUM_TASKS = 2
BATCH = 16384

def setup_inputs(seed: int = 0) -> dict:
    key = jax.random.key(seed)
    k1, = jax.random.split(key, 1)
    x = jax.random.normal(k1, (BATCH, DIM), dtype=jnp.float32)
    # Learned params, matching torch init: gamma=ones, beta=zeros
    gamma_w = jnp.ones((NUM_TASKS, DIM), dtype=jnp.float32)
    beta_w = jnp.zeros((NUM_TASKS, DIM), dtype=jnp.float32)
    task_id = 1
    return {"x": x, "gamma_w": gamma_w, "beta_w": beta_w, "task_id": task_id}

def reference(x, gamma_w, beta_w, task_id):
    # FiLM(x) = gamma(task) * x + beta(task)
    task_idx = jnp.asarray(task_id, dtype=jnp.int32)
    gamma = jnp.take(gamma_w, task_idx, axis=0)  # [dim]
    beta = jnp.take(beta_w, task_idx, axis=0)    # [dim]
    return gamma * x + beta

if __name__ == "__main__":
    import jax
    _d = setup_inputs()
    print(jax.jit(kernel)(*tuple(_d.values())))

</pallas_src>

<mosaic_0001>
#map = affine_map<(d0, d1) -> (0, 0)>
#map1 = affine_map<(d0, d1) -> (0)>
module attributes {stable_mosaic.version = 14 : i64} {
  func.func @sc_film(%arg0: i32, %arg1: i32, %arg2: memref<16384x128xf32, #tpu.memory_space<hbm>>, %arg3: memref<2x128xf32, #tpu.memory_space<hbm>>, %arg4: memref<2x128xf32, #tpu.memory_space<hbm>>, %arg5: memref<16xf32, #tpu.memory_space<hbm>>, %arg6: memref<16384x128xf32, #tpu.memory_space<hbm>>, %arg7: memref<2x128x128xf32, #tpu.memory_space<vmem>>, %arg8: memref<2x128x128xf32, #tpu.memory_space<vmem>>, %arg9: memref<2x128xf32, #tpu.memory_space<vmem>>, %arg10: memref<2x128xf32, #tpu.memory_space<vmem>>, %arg11: memref<16xf32, #tpu.memory_space<vmem>>, %arg12: memref<2x!tpu.dma_semaphore, #tpu.memory_space<semaphore_mem>>, %arg13: memref<2x!tpu.dma_semaphore, #tpu.memory_space<semaphore_mem>>) attributes {dimension_semantics = [#tpu.dimension_semantics<core_parallel>, #tpu.dimension_semantics<subcore_parallel>], iteration_bounds = array<i64: 2, 16>, scalar_prefetch = 0 : i64, scratch_operands = 7 : i64, tpu.core_type = #tpu.core_type<sc_vector_subcore>, window_params = [{transform_indices = #map}, {transform_indices = #map}, {transform_indices = #map}, {transform_indices = #map1}, {transform_indices = #map}]} {
    %mul3A = arith.constant 2 : i32
    %mul3A_0 = arith.muli %arg1, %mul3A : i32
    %add3A = arith.addi %mul3A_0, %arg0 : i32
    %mul3A_1 = arith.constant 512 : i32
    %mul3A_2 = arith.muli %add3A, %mul3A_1 : i32
    "tpu.region"() ({
      %run_scoped3A = tpu.sem_alloc : memref<!tpu.dma_semaphore, #tpu.memory_space<semaphore_mem>>
      tpu.enqueue_dma source(%arg3 : memref<2x128xf32, #tpu.memory_space<hbm>>) target(%arg9 : memref<2x128xf32, #tpu.memory_space<vmem>>) target_semaphore(%run_scoped3A : memref<!tpu.dma_semaphore, #tpu.memory_space<semaphore_mem>>)
      tpu.wait_dma2 semaphore(%run_scoped3A : memref<!tpu.dma_semaphore, #tpu.memory_space<semaphore_mem>>) src(%arg3 : memref<2x128xf32, #tpu.memory_space<hbm>>) dst(%arg9 : memref<2x128xf32, #tpu.memory_space<vmem>>)
      tpu.yield
    }) : () -> ()
    "tpu.region"() ({
      %run_scoped3A = tpu.sem_alloc : memref<!tpu.dma_semaphore, #tpu.memory_space<semaphore_mem>>
      tpu.enqueue_dma source(%arg4 : memref<2x128xf32, #tpu.memory_space<hbm>>) target(%arg10 : memref<2x128xf32, #tpu.memory_space<vmem>>) target_semaphore(%run_scoped3A : memref<!tpu.dma_semaphore, #tpu.memory_space<semaphore_mem>>)
      tpu.wait_dma2 semaphore(%run_scoped3A : memref<!tpu.dma_semaphore, #tpu.memory_space<semaphore_mem>>) src(%arg4 : memref<2x128xf32, #tpu.memory_space<hbm>>) dst(%arg10 : memref<2x128xf32, #tpu.memory_space<vmem>>)
      tpu.yield
    }) : () -> ()
    "tpu.region"() ({
      %run_scoped3A = tpu.sem_alloc : memref<!tpu.dma_semaphore, #tpu.memory_space<semaphore_mem>>
      tpu.enqueue_dma source(%arg5 : memref<16xf32, #tpu.memory_space<hbm>>) target(%arg11 : memref<16xf32, #tpu.memory_space<vmem>>) target_semaphore(%run_scoped3A : memref<!tpu.dma_semaphore, #tpu.memory_space<semaphore_mem>>)
      tpu.wait_dma2 semaphore(%run_scoped3A : memref<!tpu.dma_semaphore, #tpu.memory_space<semaphore_mem>>) src(%arg5 : memref<16xf32, #tpu.memory_space<hbm>>) dst(%arg11 : memref<16xf32, #tpu.memory_space<vmem>>)
      tpu.yield
    }) : () -> ()
    %get3A = arith.constant 0 : index
    %get3A_3 = tpu.vector_load %arg11[%get3A] {strides = array<i32>} : memref<16xf32, #tpu.memory_space<vmem>>, vector<16xf32>,
    %get3A_4 = vector.shape_cast %get3A_3 : vector<16xf32> to vector<16xf32>
    %get3A_5 = arith.constant 0 : i32
    %get3A_6 = arith.index_cast %get3A_5 : i32 to index
    %get3A_7 = arith.constant 0 : index
    %get3A_8 = tpu.vector_load %arg9[%get3A_6, %get3A_7] {strides = array<i32>} : memref<2x128xf32, #tpu.memory_space<vmem>>, vector<1x16xf32>,
    %get3A_9 = vector.shape_cast %get3A_8 : vector<1x16xf32> to vector<16xf32>
    %get3A_10 = arith.constant 1 : i32
    %get3A_11 = arith.index_cast %get3A_10 : i32 to index
    %get3A_12 = arith.constant 0 : index
    %get3A_13 = tpu.vector_load %arg9[%get3A_11, %get3A_12] {strides = array<i32>} : memref<2x128xf32, #tpu.memory_space<vmem>>, vector<1x16xf32>,
    %get3A_14 = vector.shape_cast %get3A_13 : vector<1x16xf32> to vector<16xf32>
    %get3A_15 = arith.constant 0 : i32
    %get3A_16 = arith.index_cast %get3A_15 : i32 to index
    %get3A_17 = arith.constant 0 : index
    %get3A_18 = tpu.vector_load %arg10[%get3A_16, %get3A_17] {strides = array<i32>} : memref<2x128xf32, #tpu.memory_space<vmem>>, vector<1x16xf32>,
    %get3A_19 = vector.shape_cast %get3A_18 : vector<1x16xf32> to vector<16xf32>
    %get3A_20 = arith.constant 1 : i32
    %get3A_21 = arith.index_cast %get3A_20 : i32 to index
    %get3A_22 = arith.constant 0 : index
    %get3A_23 = tpu.vector_load %arg10[%get3A_21, %get3A_22] {strides = array<i32>} : memref<2x128xf32, #tpu.memory_space<vmem>>, vector<1x16xf32>,
    %get3A_24 = vector.shape_cast %get3A_23 : vector<1x16xf32> to vector<16xf32>
    %sub3A = arith.subf %get3A_14, %get3A_9 : vector<16xf32>
    %mul3A_25 = arith.mulf %sub3A, %get3A_4 : vector<16xf32>
    %add3A_26 = arith.addf %get3A_9, %mul3A_25 : vector<16xf32>
    %sub3A_27 = arith.subf %get3A_24, %get3A_19 : vector<16xf32>
    %mul3A_28 = arith.mulf %sub3A_27, %get3A_4 : vector<16xf32>
    %add3A_29 = arith.addf %get3A_19, %mul3A_28 : vector<16xf32>
    %get3A_30 = arith.constant 0 : i32
    %get3A_31 = arith.index_cast %get3A_30 : i32 to index
    %get3A_32 = arith.constant 16 : index
    %get3A_33 = tpu.vector_load %arg9[%get3A_31, %get3A_32] {strides = array<i32>} : memref<2x128xf32, #tpu.memory_space<vmem>>, vector<1x16xf32>,
    %get3A_34 = vector.shape_cast %get3A_33 : vector<1x16xf32> to vector<16xf32>
    %get3A_35 = arith.constant 1 : i32
    %get3A_36 = arith.index_cast %get3A_35 : i32 to index
    %get3A_37 = arith.constant 16 : index
    %get3A_38 = tpu.vector_load %arg9[%get3A_36, %get3A_37] {strides = array<i32>} : memref<2x128xf32, #tpu.memory_space<vmem>>, vector<1x16xf32>,
    %get3A_39 = vector.shape_cast %get3A_38 : vector<1x16xf32> to vector<16xf32>
    %get3A_40 = arith.constant 0 : i32
    %get3A_41 = arith.index_cast %get3A_40 : i32 to index
    %get3A_42 = arith.constant 16 : index
    %get3A_43 = tpu.vector_load %arg10[%get3A_41, %get3A_42] {strides = array<i32>} : memref<2x128xf32, #tpu.memory_space<vmem>>, vector<1x16xf32>,
    %get3A_44 = vector.shape_cast %get3A_43 : vector<1x16xf32> to vector<16xf32>
    %get3A_45 = arith.constant 1 : i32
    %get3A_46 = arith.index_cast %get3A_45 : i32 to index
    %get3A_47 = arith.constant 16 : index
    %get3A_48 = tpu.vector_load %arg10[%get3A_46, %get3A_47] {strides = array<i32>} : memref<2x128xf32, #tpu.memory_space<vmem>>, vector<1x16xf32>,
    %get3A_49 = vector.shape_cast %get3A_48 : vector<1x16xf32> to vector<16xf32>
    %sub3A_50 = arith.subf %get3A_39, %get3A_34 : vector<16xf32>
    %mul3A_51 = arith.mulf %sub3A_50, %get3A_4 : vector<16xf32>
    %add3A_52 = arith.addf %get3A_34, %mul3A_51 : vector<16xf32>
    %sub3A_53 = arith.subf %get3A_49, %get3A_44 : vector<16xf32>
    %mul3A_54 = arith.mulf %sub3A_53, %get3A_4 : vector<16xf32>
    %add3A_55 = arith.addf %get3A_44, %mul3A_54 : vector<16xf32>
    %get3A_56 = arith.constant 0 : i32
    %get3A_57 = arith.index_cast %get3A_56 : i32 to index
    %get3A_58 = arith.constant 32 : index
    %get3A_59 = tpu.vector_load %arg9[%get3A_57, %get3A_58] {strides = array<i32>} : memref<2x128xf32, #tpu.memory_space<vmem>>, vector<1x16xf32>,
    %get3A_60 = vector.shape_cast %get3A_59 : vector<1x16xf32> to vector<16xf32>
    %get3A_61 = arith.constant 1 : i32
    %get3A_62 = arith.index_cast %get3A_61 : i32 to index
    %get3A_63 = arith.constant 32 : index
    %get3A_64 = tpu.vector_load %arg9[%get3A_62, %get3A_63] {strides = array<i32>} : memref<2x128xf32, #tpu.memory_space<vmem>>, vector<1x16xf32>,
    %get3A_65 = vector.shape_cast %get3A_64 : vector<1x16xf32> to vector<16xf32>
    %get3A_66 = arith.constant 0 : i32
    %get3A_67 = arith.index_cast %get3A_66 : i32 to index
    %get3A_68 = arith.constant 32 : index
    %get3A_69 = tpu.vector_load %arg10[%get3A_67, %get3A_68] {strides = array<i32>} : memref<2x128xf32, #tpu.memory_space<vmem>>, vector<1x16xf32>,
    %get3A_70 = vector.shape_cast %get3A_69 : vector<1x16xf32> to vector<16xf32>
    %get3A_71 = arith.constant 1 : i32
    %get3A_72 = arith.index_cast %get3A_71 : i32 to index
    %get3A_73 = arith.constant 32 : index
    %get3A_74 = tpu.vector_load %arg10[%get3A_72, %get3A_73] {strides = array<i32>} : memref<2x128xf32, #tpu.memory_space<vmem>>, vector<1x16xf32>,
    %get3A_75 = vector.shape_cast %get3A_74 : vector<1x16xf32> to vector<16xf32>
    %sub3A_76 = arith.subf %get3A_65, %get3A_60 : vector<16xf32>
    %mul3A_77 = arith.mulf %sub3A_76, %get3A_4 : vector<16xf32>
    %add3A_78 = arith.addf %get3A_60, %mul3A_77 : vector<16xf32>
    %sub3A_79 = arith.subf %get3A_75, %get3A_70 : vector<16xf32>
    %mul3A_80 = arith.mulf %sub3A_79, %get3A_4 : vector<16xf32>
    %add3A_81 = arith.addf %get3A_70, %mul3A_80 : vector<16xf32>
    %get3A_82 = arith.constant 0 : i32
    %get3A_83 = arith.index_cast %get3A_82 : i32 to index
    %get3A_84 = arith.constant 48 : index
    %get3A_85 = tpu.vector_load %arg9[%get3A_83, %get3A_84] {strides = array<i32>} : memref<2x128xf32, #tpu.memory_space<vmem>>, vector<1x16xf32>,
    %get3A_86 = vector.shape_cast %get3A_85 : vector<1x16xf32> to vector<16xf32>
    %get3A_87 = arith.constant 1 : i32
    %get3A_88 = arith.index_cast %get3A_87 : i32 to index
    %get3A_89 = arith.constant 48 : index
    %get3A_90 = tpu.vector_load %arg9[%get3A_88, %get3A_89] {strides = array<i32>} : memref<2x128xf32, #tpu.memory_space<vmem>>, vector<1x16xf32>,
    %get3A_91 = vector.shape_cast %get3A_90 : vector<1x16xf32> to vector<16xf32>
    %get3A_92 = arith.constant 0 : i32
    %get3A_93 = arith.index_cast %get3A_92 : i32 to index
    %get3A_94 = arith.constant 48 : index
    %get3A_95 = tpu.vector_load %arg10[%get3A_93, %get3A_94] {strides = array<i32>} : memref<2x128xf32, #tpu.memory_space<vmem>>, vector<1x16xf32>,
    %get3A_96 = vector.shape_cast %get3A_95 : vector<1x16xf32> to vector<16xf32>
    %get3A_97 = arith.constant 1 : i32
    %get3A_98 = arith.index_cast %get3A_97 : i32 to index
    %get3A_99 = arith.constant 48 : index
    %get3A_100 = tpu.vector_load %arg10[%get3A_98, %get3A_99] {strides = array<i32>} : memref<2x128xf32, #tpu.memory_space<vmem>>, vector<1x16xf32>,
    %get3A_101 = vector.shape_cast %get3A_100 : vector<1x16xf32> to vector<16xf32>
    %sub3A_102 = arith.subf %get3A_91, %get3A_86 : vector<16xf32>
    %mul3A_103 = arith.mulf %sub3A_102, %get3A_4 : vector<16xf32>
    %add3A_104 = arith.addf %get3A_86, %mul3A_103 : vector<16xf32>
    %sub3A_105 = arith.subf %get3A_101, %get3A_96 : vector<16xf32>
    %mul3A_106 = arith.mulf %sub3A_105, %get3A_4 : vector<16xf32>
    %add3A_107 = arith.addf %get3A_96, %mul3A_106 : vector<16xf32>
    %get3A_108 = arith.constant 0 : i32
    %get3A_109 = arith.index_cast %get3A_108 : i32 to index
    %get3A_110 = arith.constant 64 : index
    %get3A_111 = tpu.vector_load %arg9[%get3A_109, %get3A_110] {strides = array<i32>} : memref<2x128xf32, #tpu.memory_space<vmem>>, vector<1x16xf32>,
    %get3A_112 = vector.shape_cast %get3A_111 : vector<1x16xf32> to vector<16xf32>
    %get3A_113 = arith.constant 1 : i32
    %get3A_114 = arith.index_cast %get3A_113 : i32 to index
    %get3A_115 = arith.constant 64 : index
    %get3A_116 = tpu.vector_load %arg9[%get3A_114, %get3A_115] {strides = array<i32>} : memref<2x128xf32, #tpu.memory_space<vmem>>, vector<1x16xf32>,
    %get3A_117 = vector.shape_cast %get3A_116 : vector<1x16xf32> to vector<16xf32>
    %get3A_118 = arith.constant 0 : i32
    %get3A_119 = arith.index_cast %get3A_118 : i32 to index
    %get3A_120 = arith.constant 64 : index
    %get3A_121 = tpu.vector_load %arg10[%get3A_119, %get3A_120] {strides = array<i32>} : memref<2x128xf32, #tpu.memory_space<vmem>>, vector<1x16xf32>,
    %get3A_122 = vector.shape_cast %get3A_121 : vector<1x16xf32> to vector<16xf32>
    %get3A_123 = arith.constant 1 : i32
    %get3A_124 = arith.index_cast %get3A_123 : i32 to index
    %get3A_125 = arith.constant 64 : index
    %get3A_126 = tpu.vector_load %arg10[%get3A_124, %get3A_125] {strides = array<i32>} : memref<2x128xf32, #tpu.memory_space<vmem>>, vector<1x16xf32>,
    %get3A_127 = vector.shape_cast %get3A_126 : vector<1x16xf32> to vector<16xf32>
    %sub3A_128 = arith.subf %get3A_117, %get3A_112 : vector<16xf32>
    %mul3A_129 = arith.mulf %sub3A_128, %get3A_4 : vector<16xf32>
    %add3A_130 = arith.addf %get3A_112, %mul3A_129 : vector<16xf32>
    %sub3A_131 = arith.subf %get3A_127, %get3A_122 : vector<16xf32>
    %mul3A_132 = arith.mulf %sub3A_131, %get3A_4 : vector<16xf32>
    %add3A_133 = arith.addf %get3A_122, %mul3A_132 : vector<16xf32>
    %get3A_134 = arith.constant 0 : i32
    %get3A_135 = arith.index_cast %get3A_134 : i32 to index
    %get3A_136 = arith.constant 80 : index
    %get3A_137 = tpu.vector_load %arg9[%get3A_135, %get3A_136] {strides = array<i32>} : memref<2x128xf32, #tpu.memory_space<vmem>>, vector<1x16xf32>,
    %get3A_138 = vector.shape_cast %get3A_137 : vector<1x16xf32> to vector<16xf32>
    %get3A_139 = arith.constant 1 : i32
    %get3A_140 = arith.index_cast %get3A_139 : i32 to index
    %get3A_141 = arith.constant 80 : index
    %get3A_142 = tpu.vector_load %arg9[%get3A_140, %get3A_141] {strides = array<i32>} : memref<2x128xf32, #tpu.memory_space<vmem>>, vector<1x16xf32>,
    %get3A_143 = vector.shape_cast %get3A_142 : vector<1x16xf32> to vector<16xf32>
    %get3A_144 = arith.constant 0 : i32
    %get3A_145 = arith.index_cast %get3A_144 : i32 to index
    %get3A_146 = arith.constant 80 : index
    %get3A_147 = tpu.vector_load %arg10[%get3A_145, %get3A_146] {strides = array<i32>} : memref<2x128xf32, #tpu.memory_space<vmem>>, vector<1x16xf32>,
    %get3A_148 = vector.shape_cast %get3A_147 : vector<1x16xf32> to vector<16xf32>
    %get3A_149 = arith.constant 1 : i32
    %get3A_150 = arith.index_cast %get3A_149 : i32 to index
    %get3A_151 = arith.constant 80 : index
    %get3A_152 = tpu.vector_load %arg10[%get3A_150, %get3A_151] {strides = array<i32>} : memref<2x128xf32, #tpu.memory_space<vmem>>, vector<1x16xf32>,
    %get3A_153 = vector.shape_cast %get3A_152 : vector<1x16xf32> to vector<16xf32>
    %sub3A_154 = arith.subf %get3A_143, %get3A_138 : vector<16xf32>
    %mul3A_155 = arith.mulf %sub3A_154, %get3A_4 : vector<16xf32>
    %add3A_156 = arith.addf %get3A_138, %mul3A_155 : vector<16xf32>
    %sub3A_157 = arith.subf %get3A_153, %get3A_148 : vector<16xf32>
    %mul3A_158 = arith.mulf %sub3A_157, %get3A_4 : vector<16xf32>
    %add3A_159 = arith.addf %get3A_148, %mul3A_158 : vector<16xf32>
    %get3A_160 = arith.constant 0 : i32
    %get3A_161 = arith.index_cast %get3A_160 : i32 to index
    %get3A_162 = arith.constant 96 : index
    %get3A_163 = tpu.vector_load %arg9[%get3A_161, %get3A_162] {strides = array<i32>} : memref<2x128xf32, #tpu.memory_space<vmem>>, vector<1x16xf32>,
    %get3A_164 = vector.shape_cast %get3A_163 : vector<1x16xf32> to vector<16xf32>
    %get3A_165 = arith.constant 1 : i32
    %get3A_166 = arith.index_cast %get3A_165 : i32 to index
    %get3A_167 = arith.constant 96 : index
    %get3A_168 = tpu.vector_load %arg9[%get3A_166, %get3A_167] {strides = array<i32>} : memref<2x128xf32, #tpu.memory_space<vmem>>, vector<1x16xf32>,
    %get3A_169 = vector.shape_cast %get3A_168 : vector<1x16xf32> to vector<16xf32>
    %get3A_170 = arith.constant 0 : i32
    %get3A_171 = arith.index_cast %get3A_170 : i32 to index
    %get3A_172 = arith.constant 96 : index
    %get3A_173 = tpu.vector_load %arg10[%get3A_171, %get3A_172] {strides = array<i32>} : memref<2x128xf32, #tpu.memory_space<vmem>>, vector<1x16xf32>,
    %get3A_174 = vector.shape_cast %get3A_173 : vector<1x16xf32> to vector<16xf32>
    %get3A_175 = arith.constant 1 : i32
    %get3A_176 = arith.index_cast %get3A_175 : i32 to index
    %get3A_177 = arith.constant 96 : index
    %get3A_178 = tpu.vector_load %arg10[%get3A_176, %get3A_177] {strides = array<i32>} : memref<2x128xf32, #tpu.memory_space<vmem>>, vector<1x16xf32>,
    %get3A_179 = vector.shape_cast %get3A_178 : vector<1x16xf32> to vector<16xf32>
    %sub3A_180 = arith.subf %get3A_169, %get3A_164 : vector<16xf32>
    %mul3A_181 = arith.mulf %sub3A_180, %get3A_4 : vector<16xf32>
    %add3A_182 = arith.addf %get3A_164, %mul3A_181 : vector<16xf32>
    %sub3A_183 = arith.subf %get3A_179, %get3A_174 : vector<16xf32>
    %mul3A_184 = arith.mulf %sub3A_183, %get3A_4 : vector<16xf32>
    %add3A_185 = arith.addf %get3A_174, %mul3A_184 : vector<16xf32>
    %get3A_186 = arith.constant 0 : i32
    %get3A_187 = arith.index_cast %get3A_186 : i32 to index
    %get3A_188 = arith.constant 112 : index
    %get3A_189 = tpu.vector_load %arg9[%get3A_187, %get3A_188] {strides = array<i32>} : memref<2x128xf32, #tpu.memory_space<vmem>>, vector<1x16xf32>,
    %get3A_190 = vector.shape_cast %get3A_189 : vector<1x16xf32> to vector<16xf32>
    %get3A_191 = arith.constant 1 : i32
    %get3A_192 = arith.index_cast %get3A_191 : i32 to index
    %get3A_193 = arith.constant 112 : index
    %get3A_194 = tpu.vector_load %arg9[%get3A_192, %get3A_193] {strides = array<i32>} : memref<2x128xf32, #tpu.memory_space<vmem>>, vector<1x16xf32>,
    %get3A_195 = vector.shape_cast %get3A_194 : vector<1x16xf32> to vector<16xf32>
    %get3A_196 = arith.constant 0 : i32
    %get3A_197 = arith.index_cast %get3A_196 : i32 to index
    %get3A_198 = arith.constant 112 : index
    %get3A_199 = tpu.vector_load %arg10[%get3A_197, %get3A_198] {strides = array<i32>} : memref<2x128xf32, #tpu.memory_space<vmem>>, vector<1x16xf32>,
    %get3A_200 = vector.shape_cast %get3A_199 : vector<1x16xf32> to vector<16xf32>
    %get3A_201 = arith.constant 1 : i32
    %get3A_202 = arith.index_cast %get3A_201 : i32 to index
    %get3A_203 = arith.constant 112 : index
    %get3A_204 = tpu.vector_load %arg10[%get3A_202, %get3A_203] {strides = array<i32>} : memref<2x128xf32, #tpu.memory_space<vmem>>, vector<1x16xf32>,
    %get3A_205 = vector.shape_cast %get3A_204 : vector<1x16xf32> to vector<16xf32>
    %sub3A_206 = arith.subf %get3A_195, %get3A_190 : vector<16xf32>
    %mul3A_207 = arith.mulf %sub3A_206, %get3A_4 : vector<16xf32>
    %add3A_208 = arith.addf %get3A_190, %mul3A_207 : vector<16xf32>
    %sub3A_209 = arith.subf %get3A_205, %get3A_200 : vector<16xf32>
    %mul3A_210 = arith.mulf %sub3A_209, %get3A_4 : vector<16xf32>
    %add3A_211 = arith.addf %get3A_200, %mul3A_210 : vector<16xf32>
    %add3A_212 = arith.constant 0 : i32
    %add3A_213 = arith.addi %mul3A_2, %add3A_212 : i32
    %dma_start3A = arith.constant 0 : i32
    %dma_start3A_214 = arith.constant 0 : i32
    %dma_start3A_215 = arith.constant 0 : i32
    %dma_start3A_216 = arith.constant 0 : i32
    %dma_start3A_217 = tpu.memref_slice %arg7[%dma_start3A, %dma_start3A_215, %dma_start3A_216] : memref<2x128x128xf32, #tpu.memory_space<vmem>> -> memref<1x128x128xf32, #tpu.memory_space<vmem>>
    %dma_start3A_218 = tpu.memref_squeeze %dma_start3A_217 : memref<1x128x128xf32, #tpu.memory_space<vmem>> -> memref<128x128xf32, #tpu.memory_space<vmem>>
    %dma_start3A_219 = arith.constant 0 : i32
    %dma_start3A_220 = tpu.memref_slice %arg2[%add3A_213, %dma_start3A_219] : memref<16384x128xf32, #tpu.memory_space<hbm>> -> memref<128x128xf32, #tpu.memory_space<hbm>>
    %dma_start3A_221 = tpu.memref_slice %arg12[%dma_start3A_214] : memref<2x!tpu.dma_semaphore, #tpu.memory_space<semaphore_mem>> -> memref<1x!tpu.dma_semaphore, #tpu.memory_space<semaphore_mem>>
    %dma_start3A_222 = tpu.memref_squeeze %dma_start3A_221 : memref<1x!tpu.dma_semaphore, #tpu.memory_space<semaphore_mem>> -> memref<!tpu.dma_semaphore, #tpu.memory_space<semaphore_mem>>
    %dma_start3A_223 = arith.constant 0 : i32
    %dma_start3A_224 = arith.constant 0 : i32
    %dma_start3A_225 = tpu.memref_slice %arg7[%dma_start3A, %dma_start3A_223, %dma_start3A_224] : memref<2x128x128xf32, #tpu.memory_space<vmem>> -> memref<1x128x128xf32, #tpu.memory_space<vmem>>
    %dma_start3A_226 = tpu.memref_squeeze %dma_start3A_225 : memref<1x128x128xf32, #tpu.memory_space<vmem>> -> memref<128x128xf32, #tpu.memory_space<vmem>>
    %dma_start3A_227 = arith.constant 0 : i32
    %dma_start3A_228 = tpu.memref_slice %arg2[%add3A_213, %dma_start3A_227] : memref<16384x128xf32, #tpu.memory_space<hbm>> -> memref<128x128xf32, #tpu.memory_space<hbm>>
    tpu.enqueue_dma source(%dma_start3A_228 : memref<128x128xf32, #tpu.memory_space<hbm>>) target(%dma_start3A_226 : memref<128x128xf32, #tpu.memory_space<vmem>>) target_semaphore(%dma_start3A_222 : memref<!tpu.dma_semaphore, #tpu.memory_space<semaphore_mem>>)
    %add3A_229 = arith.constant 128 : i32
    %add3A_230 = arith.addi %mul3A_2, %add3A_229 : i32
    %dma_start3A_231 = arith.constant 1 : i32
    %dma_start3A_232 = arith.constant 1 : i32
    %dma_start3A_233 = arith.constant 0 : i32
    %dma_start3A_234 = arith.constant 0 : i32
    %dma_start3A_235 = tpu.memref_slice %arg7[%dma_start3A_231, %dma_start3A_233, %dma_start3A_234] : memref<2x128x128xf32, #tpu.memory_space<vmem>> -> memref<1x128x128xf32, #tpu.memory_space<vmem>>
    %dma_start3A_236 = tpu.memref_squeeze %dma_start3A_235 : memref<1x128x128xf32, #tpu.memory_space<vmem>> -> memref<128x128xf32, #tpu.memory_space<vmem>>
    %dma_start3A_237 = arith.constant 0 : i32
    %dma_start3A_238 = tpu.memref_slice %arg2[%add3A_230, %dma_start3A_237] : memref<16384x128xf32, #tpu.memory_space<hbm>> -> memref<128x128xf32, #tpu.memory_space<hbm>>
    %dma_start3A_239 = tpu.memref_slice %arg12[%dma_start3A_232] : memref<2x!tpu.dma_semaphore, #tpu.memory_space<semaphore_mem>> -> memref<1x!tpu.dma_semaphore, #tpu.memory_space<semaphore_mem>>
    %dma_start3A_240 = tpu.memref_squeeze %dma_start3A_239 : memref<1x!tpu.dma_semaphore, #tpu.memory_space<semaphore_mem>> -> memref<!tpu.dma_semaphore, #tpu.memory_space<semaphore_mem>>
    %dma_start3A_241 = arith.constant 0 : i32
    %dma_start3A_242 = arith.constant 0 : i32
    %dma_start3A_243 = tpu.memref_slice %arg7[%dma_start3A_231, %dma_start3A_241, %dma_start3A_242] : memref<2x128x128xf32, #tpu.memory_space<vmem>> -> memref<1x128x128xf32, #tpu.memory_space<vmem>>
    %dma_start3A_244 = tpu.memref_squeeze %dma_start3A_243 : memref<1x128x128xf32, #tpu.memory_space<vmem>> -> memref<128x128xf32, #tpu.memory_space<vmem>>
    %dma_start3A_245 = arith.constant 0 : i32
    %dma_start3A_246 = tpu.memref_slice %arg2[%add3A_230, %dma_start3A_245] : memref<16384x128xf32, #tpu.memory_space<hbm>> -> memref<128x128xf32, #tpu.memory_space<hbm>>
    tpu.enqueue_dma source(%dma_start3A_246 : memref<128x128xf32, #tpu.memory_space<hbm>>) target(%dma_start3A_244 : memref<128x128xf32, #tpu.memory_space<vmem>>) target_semaphore(%dma_start3A_240 : memref<!tpu.dma_semaphore, #tpu.memory_space<semaphore_mem>>)
    %add3A_247 = arith.constant 0 : i32
    %add3A_248 = arith.addi %mul3A_2, %add3A_247 : i32
    %dma_wait3A = arith.constant 0 : i32
    %dma_wait3A_249 = arith.constant 0 : i32
    %dma_wait3A_250 = arith.constant 0 : i32
    %dma_wait3A_251 = arith.constant 0 : i32
    %dma_wait3A_252 = tpu.memref_slice %arg7[%dma_wait3A, %dma_wait3A_250, %dma_wait3A_251] : memref<2x128x128xf32, #tpu.memory_space<vmem>> -> memref<1x128x128xf32, #tpu.memory_space<vmem>>
    %dma_wait3A_253 = tpu.memref_squeeze %dma_wait3A_252 : memref<1x128x128xf32, #tpu.memory_space<vmem>> -> memref<128x128xf32, #tpu.memory_space<vmem>>
    %dma_wait3A_254 = arith.constant 0 : i32
    %dma_wait3A_255 = tpu.memref_slice %arg2[%add3A_248, %dma_wait3A_254] : memref<16384x128xf32, #tpu.memory_space<hbm>> -> memref<128x128xf32, #tpu.memory_space<hbm>>
    %dma_wait3A_256 = tpu.memref_slice %arg12[%dma_wait3A_249] : memref<2x!tpu.dma_semaphore, #tpu.memory_space<semaphore_mem>> -> memref<1x!tpu.dma_semaphore, #tpu.memory_space<semaphore_mem>>
    %dma_wait3A_257 = tpu.memref_squeeze %dma_wait3A_256 : memref<1x!tpu.dma_semaphore, #tpu.memory_space<semaphore_mem>> -> memref<!tpu.dma_semaphore, #tpu.memory_space<semaphore_mem>>
    %dma_wait3A_258 = arith.constant 0 : i32
    %dma_wait3A_259 = arith.constant 0 : i32
    %dma_wait3A_260 = tpu.memref_slice %arg7[%dma_wait3A, %dma_wait3A_258, %dma_wait3A_259] : memref<2x128x128xf32, #tpu.memory_space<vmem>> -> memref<1x128x128xf32, #tpu.memory_space<vmem>>
    %dma_wait3A_261 = tpu.memref_squeeze %dma_wait3A_260 : memref<1x128x128xf32, #tpu.memory_space<vmem>> -> memref<128x128xf32, #tpu.memory_space<vmem>>
    %dma_wait3A_262 = arith.constant 0 : i32
    %dma_wait3A_263 = tpu.memref_slice %arg2[%add3A_248, %dma_wait3A_262] : memref<16384x128xf32, #tpu.memory_space<hbm>> -> memref<128x128xf32, #tpu.memory_space<hbm>>
    tpu.wait_dma2 semaphore(%dma_wait3A_257 : memref<!tpu.dma_semaphore, #tpu.memory_space<semaphore_mem>>) src(%dma_wait3A_263 : memref<128x128xf32, #tpu.memory_space<hbm>>) dst(%dma_wait3A_261 : memref<128x128xf32, #tpu.memory_space<vmem>>)
    %scan3A = arith.constant 0 : i32
    %scan3A_264 = arith.constant 0 : i32
    %scan3A_265 = arith.constant 128 : i32
    %scan3A_266 = arith.addi %scan3A_264, %scan3A_265 : i32
    %scan3A_267 = arith.constant 1 : i32
    scf.for %scan3A_521 = %scan3A_264 to %scan3A_266 step %scan3A_267  : i32 {
      %get3A_522 = arith.constant 0 : i32
      %get3A_523 = arith.index_cast %get3A_522 : i32 to index
      %get3A_524 = arith.index_cast %scan3A_521 : i32 to index
      %get3A_525 = arith.constant 0 : index
      %get3A_526 = tpu.vector_load %arg7[%get3A_523, %get3A_524, %get3A_525] {strides = array<i32>} : memref<2x128x128xf32, #tpu.memory_space<vmem>>, vector<1x1x16xf32>,
      %get3A_527 = vector.shape_cast %get3A_526 : vector<1x1x16xf32> to vector<16xf32>
      %mul3A_528 = arith.mulf %get3A_527, %add3A_26 : vector<16xf32>
      %add3A_529 = arith.addf %mul3A_528, %add3A_29 : vector<16xf32>
      %swap3A = arith.constant 0 : i32
      %swap3A_530 = arith.index_cast %swap3A : i32 to index
      %swap3A_531 = arith.index_cast %scan3A_521 : i32 to index
      %swap3A_532 = arith.constant 0 : index
      %swap3A_533 = tpu.vector_load %arg8[%swap3A_530, %swap3A_531, %swap3A_532] {strides = array<i32>} : memref<2x128x128xf32, #tpu.memory_space<vmem>>, vector<1x1x16xf32>,
      %swap3A_534 = vector.shape_cast %swap3A_533 : vector<1x1x16xf32> to vector<16xf32>
      %swap3A_535 = vector.shape_cast %add3A_529 : vector<16xf32> to vector<1x1x16xf32>
      tpu.vector_store %arg8[%swap3A_530, %swap3A_531, %swap3A_532], %swap3A_535 {strides = array<i32>} : memref<2x128x128xf32, #tpu.memory_space<vmem>>, vector<1x1x16xf32>,
      %get3A_536 = arith.constant 0 : i32
      %get3A_537 = arith.index_cast %get3A_536 : i32 to index
      %get3A_538 = arith.index_cast %scan3A_521 : i32 to index
      %get3A_539 = arith.constant 16 : index
      %get3A_540 = tpu.vector_load %arg7[%get3A_537, %get3A_538, %get3A_539] {strides = array<i32>} : memref<2x128x128xf32, #tpu.memory_space<vmem>>, vector<1x1x16xf32>,
      %get3A_541 = vector.shape_cast %get3A_540 : vector<1x1x16xf32> to vector<16xf32>
      %mul3A_542 = arith.mulf %get3A_541, %add3A_52 : vector<16xf32>
      %add3A_543 = arith.addf %mul3A_542, %add3A_55 : vector<16xf32>
      %swap3A_544 = arith.constant 0 : i32
      %swap3A_545 = arith.index_cast %swap3A_544 : i32 to index
      %swap3A_546 = arith.index_cast %scan3A_521 : i32 to index
      %swap3A_547 = arith.constant 16 : index
      %swap3A_548 = tpu.vector_load %arg8[%swap3A_545, %swap3A_546, %swap3A_547] {strides = array<i32>} : memref<2x128x128xf32, #tpu.memory_space<vmem>>, vector<1x1x16xf32>,
      %swap3A_549 = vector.shape_cast %swap3A_548 : vector<1x1x16xf32> to vector<16xf32>
      %swap3A_550 = vector.shape_cast %add3A_543 : vector<16xf32> to vector<1x1x16xf32>
      tpu.vector_store %arg8[%swap3A_545, %swap3A_546, %swap3A_547], %swap3A_550 {strides = array<i32>} : memref<2x128x128xf32, #tpu.memory_space<vmem>>, vector<1x1x16xf32>,
      %get3A_551 = arith.constant 0 : i32
      %get3A_552 = arith.index_cast %get3A_551 : i32 to index
      %get3A_553 = arith.index_cast %scan3A_521 : i32 to index
      %get3A_554 = arith.constant 32 : index
      %get3A_555 = tpu.vector_load %arg7[%get3A_552, %get3A_553, %get3A_554] {strides = array<i32>} : memref<2x128x128xf32, #tpu.memory_space<vmem>>, vector<1x1x16xf32>,
      %get3A_556 = vector.shape_cast %get3A_555 : vector<1x1x16xf32> to vector<16xf32>
      %mul3A_557 = arith.mulf %get3A_556, %add3A_78 : vector<16xf32>
      %add3A_558 = arith.addf %mul3A_557, %add3A_81 : vector<16xf32>
      %swap3A_559 = arith.constant 0 : i32
      %swap3A_560 = arith.index_cast %swap3A_559 : i32 to index
      %swap3A_561 = arith.index_cast %scan3A_521 : i32 to index
      %swap3A_562 = arith.constant 32 : index
      %swap3A_563 = tpu.vector_load %arg8[%swap3A_560, %swap3A_561, %swap3A_562] {strides = array<i32>} : memref<2x128x128xf32, #tpu.memory_space<vmem>>, vector<1x1x16xf32>,
      %swap3A_564 = vector.shape_cast %swap3A_563 : vector<1x1x16xf32> to vector<16xf32>
      %swap3A_565 = vector.shape_cast %add3A_558 : vector<16xf32> to vector<1x1x16xf32>
      tpu.vector_store %arg8[%swap3A_560, %swap3A_561, %swap3A_562], %swap3A_565 {strides = array<i32>} : memref<2x128x128xf32, #tpu.memory_space<vmem>>, vector<1x1x16xf32>,
      %get3A_566 = arith.constant 0 : i32
      %get3A_567 = arith.index_cast %get3A_566 : i32 to index
      %get3A_568 = arith.index_cast %scan3A_521 : i32 to index
      %get3A_569 = arith.constant 48 : index
      %get3A_570 = tpu.vector_load %arg7[%get3A_567, %get3A_568, %get3A_569] {strides = array<i32>} : memref<2x128x128xf32, #tpu.memory_space<vmem>>, vector<1x1x16xf32>,
      %get3A_571 = vector.shape_cast %get3A_570 : vector<1x1x16xf32> to vector<16xf32>
      %mul3A_572 = arith.mulf %get3A_571, %add3A_104 : vector<16xf32>
      %add3A_573 = arith.addf %mul3A_572, %add3A_107 : vector<16xf32>
      %swap3A_574 = arith.constant 0 : i32
      %swap3A_575 = arith.index_cast %swap3A_574 : i32 to index
      %swap3A_576 = arith.index_cast %scan3A_521 : i32 to index
      %swap3A_577 = arith.constant 48 : index
      %swap3A_578 = tpu.vector_load %arg8[%swap3A_575, %swap3A_576, %swap3A_577] {strides = array<i32>} : memref<2x128x128xf32, #tpu.memory_space<vmem>>, vector<1x1x16xf32>,
      %swap3A_579 = vector.shape_cast %swap3A_578 : vector<1x1x16xf32> to vector<16xf32>
      %swap3A_580 = vector.shape_cast %add3A_573 : vector<16xf32> to vector<1x1x16xf32>
      tpu.vector_store %arg8[%swap3A_575, %swap3A_576, %swap3A_577], %swap3A_580 {strides = array<i32>} : memref<2x128x128xf32, #tpu.memory_space<vmem>>, vector<1x1x16xf32>,
      %get3A_581 = arith.constant 0 : i32
      %get3A_582 = arith.index_cast %get3A_581 : i32 to index
      %get3A_583 = arith.index_cast %scan3A_521 : i32 to index
      %get3A_584 = arith.constant 64 : index
      %get3A_585 = tpu.vector_load %arg7[%get3A_582, %get3A_583, %get3A_584] {strides = array<i32>} : memref<2x128x128xf32, #tpu.memory_space<vmem>>, vector<1x1x16xf32>,
      %get3A_586 = vector.shape_cast %get3A_585 : vector<1x1x16xf32> to vector<16xf32>
      %mul3A_587 = arith.mulf %get3A_586, %add3A_130 : vector<16xf32>
      %add3A_588 = arith.addf %mul3A_587, %add3A_133 : vector<16xf32>
      %swap3A_589 = arith.constant 0 : i32
      %swap3A_590 = arith.index_cast %swap3A_589 : i32 to index
      %swap3A_591 = arith.index_cast %scan3A_521 : i32 to index
      %swap3A_592 = arith.constant 64 : index
      %swap3A_593 = tpu.vector_load %arg8[%swap3A_590, %swap3A_591, %swap3A_592] {strides = array<i32>} : memref<2x128x128xf32, #tpu.memory_space<vmem>>, vector<1x1x16xf32>,
      %swap3A_594 = vector.shape_cast %swap3A_593 : vector<1x1x16xf32> to vector<16xf32>
      %swap3A_595 = vector.shape_cast %add3A_588 : vector<16xf32> to vector<1x1x16xf32>
      tpu.vector_store %arg8[%swap3A_590, %swap3A_591, %swap3A_592], %swap3A_595 {strides = array<i32>} : memref<2x128x128xf32, #tpu.memory_space<vmem>>, vector<1x1x16xf32>,
      %get3A_596 = arith.constant 0 : i32
      %get3A_597 = arith.index_cast %get3A_596 : i32 to index
      %get3A_598 = arith.index_cast %scan3A_521 : i32 to index
      %get3A_599 = arith.constant 80 : index
      %get3A_600 = tpu.vector_load %arg7[%get3A_597, %get3A_598, %get3A_599] {strides = array<i32>} : memref<2x128x128xf32, #tpu.memory_space<vmem>>, vector<1x1x16xf32>,
      %get3A_601 = vector.shape_cast %get3A_600 : vector<1x1x16xf32> to vector<16xf32>
      %mul3A_602 = arith.mulf %get3A_601, %add3A_156 : vector<16xf32>
      %add3A_603 = arith.addf %mul3A_602, %add3A_159 : vector<16xf32>
      %swap3A_604 = arith.constant 0 : i32
      %swap3A_605 = arith.index_cast %swap3A_604 : i32 to index
      %swap3A_606 = arith.index_cast %scan3A_521 : i32 to index
      %swap3A_607 = arith.constant 80 : index
      %swap3A_608 = tpu.vector_load %arg8[%swap3A_605, %swap3A_606, %swap3A_607] {strides = array<i32>} : memref<2x128x128xf32, #tpu.memory_space<vmem>>, vector<1x1x16xf32>,
      %swap3A_609 = vector.shape_cast %swap3A_608 : vector<1x1x16xf32> to vector<16xf32>
      %swap3A_610 = vector.shape_cast %add3A_603 : vector<16xf32> to vector<1x1x16xf32>
      tpu.vector_store %arg8[%swap3A_605, %swap3A_606, %swap3A_607], %swap3A_610 {strides = array<i32>} : memref<2x128x128xf32, #tpu.memory_space<vmem>>, vector<1x1x16xf32>,
      %get3A_611 = arith.constant 0 : i32
      %get3A_612 = arith.index_cast %get3A_611 : i32 to index
      %get3A_613 = arith.index_cast %scan3A_521 : i32 to index
      %get3A_614 = arith.constant 96 : index
      %get3A_615 = tpu.vector_load %arg7[%get3A_612, %get3A_613, %get3A_614] {strides = array<i32>} : memref<2x128x128xf32, #tpu.memory_space<vmem>>, vector<1x1x16xf32>,
      %get3A_616 = vector.shape_cast %get3A_615 : vector<1x1x16xf32> to vector<16xf32>
      %mul3A_617 = arith.mulf %get3A_616, %add3A_182 : vector<16xf32>
      %add3A_618 = arith.addf %mul3A_617, %add3A_185 : vector<16xf32>
      %swap3A_619 = arith.constant 0 : i32
      %swap3A_620 = arith.index_cast %swap3A_619 : i32 to index
      %swap3A_621 = arith.index_cast %scan3A_521 : i32 to index
      %swap3A_622 = arith.constant 96 : index
      %swap3A_623 = tpu.vector_load %arg8[%swap3A_620, %swap3A_621, %swap3A_622] {strides = array<i32>} : memref<2x128x128xf32, #tpu.memory_space<vmem>>, vector<1x1x16xf32>,
      %swap3A_624 = vector.shape_cast %swap3A_623 : vector<1x1x16xf32> to vector<16xf32>
      %swap3A_625 = vector.shape_cast %add3A_618 : vector<16xf32> to vector<1x1x16xf32>
      tpu.vector_store %arg8[%swap3A_620, %swap3A_621, %swap3A_622], %swap3A_625 {strides = array<i32>} : memref<2x128x128xf32, #tpu.memory_space<vmem>>, vector<1x1x16xf32>,
      %get3A_626 = arith.constant 0 : i32
      %get3A_627 = arith.index_cast %get3A_626 : i32 to index
      %get3A_628 = arith.index_cast %scan3A_521 : i32 to index
      %get3A_629 = arith.constant 112 : index
      %get3A_630 = tpu.vector_load %arg7[%get3A_627, %get3A_628, %get3A_629] {strides = array<i32>} : memref<2x128x128xf32, #tpu.memory_space<vmem>>, vector<1x1x16xf32>,
      %get3A_631 = vector.shape_cast %get3A_630 : vector<1x1x16xf32> to vector<16xf32>
      %mul3A_632 = arith.mulf %get3A_631, %add3A_208 : vector<16xf32>
      %add3A_633 = arith.addf %mul3A_632, %add3A_211 : vector<16xf32>
      %swap3A_634 = arith.constant 0 : i32
      %swap3A_635 = arith.index_cast %swap3A_634 : i32 to index
      %swap3A_636 = arith.index_cast %scan3A_521 : i32 to index
      %swap3A_637 = arith.constant 112 : index
      %swap3A_638 = tpu.vector_load %arg8[%swap3A_635, %swap3A_636, %swap3A_637] {strides = array<i32>} : memref<2x128x128xf32, #tpu.memory_space<vmem>>, vector<1x1x16xf32>,
      %swap3A_639 = vector.shape_cast %swap3A_638 : vector<1x1x16xf32> to vector<16xf32>
      %swap3A_640 = vector.shape_cast %add3A_633 : vector<16xf32> to vector<1x1x16xf32>
      tpu.vector_store %arg8[%swap3A_635, %swap3A_636, %swap3A_637], %swap3A_640 {strides = array<i32>} : memref<2x128x128xf32, #tpu.memory_space<vmem>>, vector<1x1x16xf32>,
    }
    %scan3A_268 = arith.constant 128 : i32
    %add3A_269 = arith.constant 0 : i32
    %add3A_270 = arith.addi %mul3A_2, %add3A_269 : i32
    %dma_start3A_271 = arith.constant 0 : i32
    %dma_start3A_272 = arith.constant 0 : i32
    %dma_start3A_273 = arith.constant 0 : i32
    %dma_start3A_274 = arith.constant 0 : i32
    %dma_start3A_275 = tpu.memref_slice %arg8[%dma_start3A_271, %dma_start3A_273, %dma_start3A_274] : memref<2x128x128xf32, #tpu.memory_space<vmem>> -> memref<1x128x128xf32, #tpu.memory_space<vmem>>
    %dma_start3A_276 = tpu.memref_squeeze %dma_start3A_275 : memref<1x128x128xf32, #tpu.memory_space<vmem>> -> memref<128x128xf32, #tpu.memory_space<vmem>>
    %dma_start3A_277 = arith.constant 0 : i32
    %dma_start3A_278 = tpu.memref_slice %arg6[%add3A_270, %dma_start3A_277] : memref<16384x128xf32, #tpu.memory_space<hbm>> -> memref<128x128xf32, #tpu.memory_space<hbm>>
    %dma_start3A_279 = tpu.memref_slice %arg13[%dma_start3A_272] : memref<2x!tpu.dma_semaphore, #tpu.memory_space<semaphore_mem>> -> memref<1x!tpu.dma_semaphore, #tpu.memory_space<semaphore_mem>>
    %dma_start3A_280 = tpu.memref_squeeze %dma_start3A_279 : memref<1x!tpu.dma_semaphore, #tpu.memory_space<semaphore_mem>> -> memref<!tpu.dma_semaphore, #tpu.memory_space<semaphore_mem>>
    %dma_start3A_281 = arith.constant 0 : i32
    %dma_start3A_282 = tpu.memref_slice %arg6[%add3A_270, %dma_start3A_281] : memref<16384x128xf32, #tpu.memory_space<hbm>> -> memref<128x128xf32, #tpu.memory_space<hbm>>
    %dma_start3A_283 = arith.constant 0 : i32
    %dma_start3A_284 = arith.constant 0 : i32
    %dma_start3A_285 = tpu.memref_slice %arg8[%dma_start3A_271, %dma_start3A_283, %dma_start3A_284] : memref<2x128x128xf32, #tpu.memory_space<vmem>> -> memref<1x128x128xf32, #tpu.memory_space<vmem>>
    %dma_start3A_286 = tpu.memref_squeeze %dma_start3A_285 : memref<1x128x128xf32, #tpu.memory_space<vmem>> -> memref<128x128xf32, #tpu.memory_space<vmem>>
    tpu.enqueue_dma source(%dma_start3A_286 : memref<128x128xf32, #tpu.memory_space<vmem>>) target(%dma_start3A_282 : memref<128x128xf32, #tpu.memory_space<hbm>>) target_semaphore(%dma_start3A_280 : memref<!tpu.dma_semaphore, #tpu.memory_space<semaphore_mem>>)
    %add3A_287 = arith.constant 256 : i32
    %add3A_288 = arith.addi %mul3A_2, %add3A_287 : i32
    %dma_start3A_289 = arith.constant 0 : i32
    %dma_start3A_290 = arith.constant 0 : i32
    %dma_start3A_291 = arith.constant 0 : i32
    %dma_start3A_292 = arith.constant 0 : i32
    %dma_start3A_293 = tpu.memref_slice %arg7[%dma_start3A_289, %dma_start3A_291, %dma_start3A_292] : memref<2x128x128xf32, #tpu.memory_space<vmem>> -> memref<1x128x128xf32, #tpu.memory_space<vmem>>
    %dma_start3A_294 = tpu.memref_squeeze %dma_start3A_293 : memref<1x128x128xf32, #tpu.memory_space<vmem>> -> memref<128x128xf32, #tpu.memory_space<vmem>>
    %dma_start3A_295 = arith.constant 0 : i32
    %dma_start3A_296 = tpu.memref_slice %arg2[%add3A_288, %dma_start3A_295] : memref<16384x128xf32, #tpu.memory_space<hbm>> -> memref<128x128xf32, #tpu.memory_space<hbm>>
    %dma_start3A_297 = tpu.memref_slice %arg12[%dma_start3A_290] : memref<2x!tpu.dma_semaphore, #tpu.memory_space<semaphore_mem>> -> memref<1x!tpu.dma_semaphore, #tpu.memory_space<semaphore_mem>>
    %dma_start3A_298 = tpu.memref_squeeze %dma_start3A_297 : memref<1x!tpu.dma_semaphore, #tpu.memory_space<semaphore_mem>> -> memref<!tpu.dma_semaphore, #tpu.memory_space<semaphore_mem>>
    %dma_start3A_299 = arith.constant 0 : i32
    %dma_start3A_300 = arith.constant 0 : i32
    %dma_start3A_301 = tpu.memref_slice %arg7[%dma_start3A_289, %dma_start3A_299, %dma_start3A_300] : memref<2x128x128xf32, #tpu.memory_space<vmem>> -> memref<1x128x128xf32, #tpu.memory_space<vmem>>
    %dma_start3A_302 = tpu.memref_squeeze %dma_start3A_301 : memref<1x128x128xf32, #tpu.memory_space<vmem>> -> memref<128x128xf32, #tpu.memory_space<vmem>>
    %dma_start3A_303 = arith.constant 0 : i32
    %dma_start3A_304 = tpu.memref_slice %arg2[%add3A_288, %dma_start3A_303] : memref<16384x128xf32, #tpu.memory_space<hbm>> -> memref<128x128xf32, #tpu.memory_space<hbm>>
    tpu.enqueue_dma source(%dma_start3A_304 : memref<128x128xf32, #tpu.memory_space<hbm>>) target(%dma_start3A_302 : memref<128x128xf32, #tpu.memory_space<vmem>>) target_semaphore(%dma_start3A_298 : memref<!tpu.dma_semaphore, #tpu.memory_space<semaphore_mem>>)
    %add3A_305 = arith.constant 128 : i32
    %add3A_306 = arith.addi %mul3A_2, %add3A_305 : i32
    %dma_wait3A_307 = arith.constant 1 : i32
    %dma_wait3A_308 = arith.constant 1 : i32
    %dma_wait3A_309 = arith.constant 0 : i32
    %dma_wait3A_310 = arith.constant 0 : i32
    %dma_wait3A_311 = tpu.memref_slice %arg7[%dma_wait3A_307, %dma_wait3A_309, %dma_wait3A_310] : memref<2x128x128xf32, #tpu.memory_space<vmem>> -> memref<1x128x128xf32, #tpu.memory_space<vmem>>
    %dma_wait3A_312 = tpu.memref_squeeze %dma_wait3A_311 : memref<1x128x128xf32, #tpu.memory_space<vmem>> -> memref<128x128xf32, #tpu.memory_space<vmem>>
    %dma_wait3A_313 = arith.constant 0 : i32
    %dma_wait3A_314 = tpu.memref_slice %arg2[%add3A_306, %dma_wait3A_313] : memref<16384x128xf32, #tpu.memory_space<hbm>> -> memref<128x128xf32, #tpu.memory_space<hbm>>
    %dma_wait3A_315 = tpu.memref_slice %arg12[%dma_wait3A_308] : memref<2x!tpu.dma_semaphore, #tpu.memory_space<semaphore_mem>> -> memref<1x!tpu.dma_semaphore, #tpu.memory_space<semaphore_mem>>
    %dma_wait3A_316 = tpu.memref_squeeze %dma_wait3A_315 : memref<1x!tpu.dma_semaphore, #tpu.memory_space<semaphore_mem>> -> memref<!tpu.dma_semaphore, #tpu.memory_space<semaphore_mem>>
    %dma_wait3A_317 = arith.constant 0 : i32
    %dma_wait3A_318 = arith.constant 0 : i32
    %dma_wait3A_319 = tpu.memref_slice %arg7[%dma_wait3A_307, %dma_wait3A_317, %dma_wait3A_318] : memref<2x128x128xf32, #tpu.memory_space<vmem>> -> memref<1x128x128xf32, #tpu.memory_space<vmem>>
    %dma_wait3A_320 = tpu.memref_squeeze %dma_wait3A_319 : memref<1x128x128xf32, #tpu.memory_space<vmem>> -> memref<128x128xf32, #tpu.memory_space<vmem>>
    %dma_wait3A_321 = arith.constant 0 : i32
    %dma_wait3A_322 = tpu.memref_slice %arg2[%add3A_306, %dma_wait3A_321] : memref<16384x128xf32, #tpu.memory_space<hbm>> -> memref<128x128xf32, #tpu.memory_space<hbm>>
    tpu.wait_dma2 semaphore(%dma_wait3A_316 : memref<!tpu.dma_semaphore, #tpu.memory_space<semaphore_mem>>) src(%dma_wait3A_322 : memref<128x128xf32, #tpu.memory_space<hbm>>) dst(%dma_wait3A_320 : memref<128x128xf32, #tpu.memory_space<vmem>>)
    %scan3A_323 = arith.constant 0 : i32
    %scan3A_324 = arith.constant 0 : i32
    %scan3A_325 = arith.constant 128 : i32
    %scan3A_326 = arith.addi %scan3A_324, %scan3A_325 : i32
    %scan3A_327 = arith.constant 1 : i32
    scf.for %scan3A_521 = %scan3A_324 to %scan3A_326 step %scan3A_327  : i32 {
      %get3A_522 = arith.constant 1 : i32
      %get3A_523 = arith.index_cast %get3A_522 : i32 to index
      %get3A_524 = arith.index_cast %scan3A_521 : i32 to index
      %get3A_525 = arith.constant 0 : index
      %get3A_526 = tpu.vector_load %arg7[%get3A_523, %get3A_524, %get3A_525] {strides = array<i32>} : memref<2x128x128xf32, #tpu.memory_space<vmem>>, vector<1x1x16xf32>,
      %get3A_527 = vector.shape_cast %get3A_526 : vector<1x1x16xf32> to vector<16xf32>
      %mul3A_528 = arith.mulf %get3A_527, %add3A_26 : vector<16xf32>
      %add3A_529 = arith.addf %mul3A_528, %add3A_29 : vector<16xf32>
      %swap3A = arith.constant 1 : i32
      %swap3A_530 = arith.index_cast %swap3A : i32 to index
      %swap3A_531 = arith.index_cast %scan3A_521 : i32 to index
      %swap3A_532 = arith.constant 0 : index
      %swap3A_533 = tpu.vector_load %arg8[%swap3A_530, %swap3A_531, %swap3A_532] {strides = array<i32>} : memref<2x128x128xf32, #tpu.memory_space<vmem>>, vector<1x1x16xf32>,
      %swap3A_534 = vector.shape_cast %swap3A_533 : vector<1x1x16xf32> to vector<16xf32>
      %swap3A_535 = vector.shape_cast %add3A_529 : vector<16xf32> to vector<1x1x16xf32>
      tpu.vector_store %arg8[%swap3A_530, %swap3A_531, %swap3A_532], %swap3A_535 {strides = array<i32>} : memref<2x128x128xf32, #tpu.memory_space<vmem>>, vector<1x1x16xf32>,
      %get3A_536 = arith.constant 1 : i32
      %get3A_537 = arith.index_cast %get3A_536 : i32 to index
      %get3A_538 = arith.index_cast %scan3A_521 : i32 to index
      %get3A_539 = arith.constant 16 : index
      %get3A_540 = tpu.vector_load %arg7[%get3A_537, %get3A_538, %get3A_539] {strides = array<i32>} : memref<2x128x128xf32, #tpu.memory_space<vmem>>, vector<1x1x16xf32>,
      %get3A_541 = vector.shape_cast %get3A_540 : vector<1x1x16xf32> to vector<16xf32>
      %mul3A_542 = arith.mulf %get3A_541, %add3A_52 : vector<16xf32>
      %add3A_543 = arith.addf %mul3A_542, %add3A_55 : vector<16xf32>
      %swap3A_544 = arith.constant 1 : i32
      %swap3A_545 = arith.index_cast %swap3A_544 : i32 to index
      %swap3A_546 = arith.index_cast %scan3A_521 : i32 to index
      %swap3A_547 = arith.constant 16 : index
      %swap3A_548 = tpu.vector_load %arg8[%swap3A_545, %swap3A_546, %swap3A_547] {strides = array<i32>} : memref<2x128x128xf32, #tpu.memory_space<vmem>>, vector<1x1x16xf32>,
      %swap3A_549 = vector.shape_cast %swap3A_548 : vector<1x1x16xf32> to vector<16xf32>
      %swap3A_550 = vector.shape_cast %add3A_543 : vector<16xf32> to vector<1x1x16xf32>
      tpu.vector_store %arg8[%swap3A_545, %swap3A_546, %swap3A_547], %swap3A_550 {strides = array<i32>} : memref<2x128x128xf32, #tpu.memory_space<vmem>>, vector<1x1x16xf32>,
      %get3A_551 = arith.constant 1 : i32
      %get3A_552 = arith.index_cast %get3A_551 : i32 to index
      %get3A_553 = arith.index_cast %scan3A_521 : i32 to index
      %get3A_554 = arith.constant 32 : index
      %get3A_555 = tpu.vector_load %arg7[%get3A_552, %get3A_553, %get3A_554] {strides = array<i32>} : memref<2x128x128xf32, #tpu.memory_space<vmem>>, vector<1x1x16xf32>,
      %get3A_556 = vector.shape_cast %get3A_555 : vector<1x1x16xf32> to vector<16xf32>
      %mul3A_557 = arith.mulf %get3A_556, %add3A_78 : vector<16xf32>
      %add3A_558 = arith.addf %mul3A_557, %add3A_81 : vector<16xf32>
      %swap3A_559 = arith.constant 1 : i32
      %swap3A_560 = arith.index_cast %swap3A_559 : i32 to index
      %swap3A_561 = arith.index_cast %scan3A_521 : i32 to index
      %swap3A_562 = arith.constant 32 : index
      %swap3A_563 = tpu.vector_load %arg8[%swap3A_560, %swap3A_561, %swap3A_562] {strides = array<i32>} : memref<2x128x128xf32, #tpu.memory_space<vmem>>, vector<1x1x16xf32>,
      %swap3A_564 = vector.shape_cast %swap3A_563 : vector<1x1x16xf32> to vector<16xf32>
      %swap3A_565 = vector.shape_cast %add3A_558 : vector<16xf32> to vector<1x1x16xf32>
      tpu.vector_store %arg8[%swap3A_560, %swap3A_561, %swap3A_562], %swap3A_565 {strides = array<i32>} : memref<2x128x128xf32, #tpu.memory_space<vmem>>, vector<1x1x16xf32>,
      %get3A_566 = arith.constant 1 : i32
      %get3A_567 = arith.index_cast %get3A_566 : i32 to index
      %get3A_568 = arith.index_cast %scan3A_521 : i32 to index
      %get3A_569 = arith.constant 48 : index
      %get3A_570 = tpu.vector_load %arg7[%get3A_567, %get3A_568, %get3A_569] {strides = array<i32>} : memref<2x128x128xf32, #tpu.memory_space<vmem>>, vector<1x1x16xf32>,
      %get3A_571 = vector.shape_cast %get3A_570 : vector<1x1x16xf32> to vector<16xf32>
      %mul3A_572 = arith.mulf %get3A_571, %add3A_104 : vector<16xf32>
      %add3A_573 = arith.addf %mul3A_572, %add3A_107 : vector<16xf32>
      %swap3A_574 = arith.constant 1 : i32
      %swap3A_575 = arith.index_cast %swap3A_574 : i32 to index
      %swap3A_576 = arith.index_cast %scan3A_521 : i32 to index
      %swap3A_577 = arith.constant 48 : index
      %swap3A_578 = tpu.vector_load %arg8[%swap3A_575, %swap3A_576, %swap3A_577] {strides = array<i32>} : memref<2x128x128xf32, #tpu.memory_space<vmem>>, vector<1x1x16xf32>,
      %swap3A_579 = vector.shape_cast %swap3A_578 : vector<1x1x16xf32> to vector<16xf32>
      %swap3A_580 = vector.shape_cast %add3A_573 : vector<16xf32> to vector<1x1x16xf32>
      tpu.vector_store %arg8[%swap3A_575, %swap3A_576, %swap3A_577], %swap3A_580 {strides = array<i32>} : memref<2x128x128xf32, #tpu.memory_space<vmem>>, vector<1x1x16xf32>,
      %get3A_581 = arith.constant 1 : i32
      %get3A_582 = arith.index_cast %get3A_581 : i32 to index
      %get3A_583 = arith.index_cast %scan3A_521 : i32 to index
      %get3A_584 = arith.constant 64 : index
      %get3A_585 = tpu.vector_load %arg7[%get3A_582, %get3A_583, %get3A_584] {strides = array<i32>} : memref<2x128x128xf32, #tpu.memory_space<vmem>>, vector<1x1x16xf32>,
      %get3A_586 = vector.shape_cast %get3A_585 : vector<1x1x16xf32> to vector<16xf32>
      %mul3A_587 = arith.mulf %get3A_586, %add3A_130 : vector<16xf32>
      %add3A_588 = arith.addf %mul3A_587, %add3A_133 : vector<16xf32>
      %swap3A_589 = arith.constant 1 : i32
      %swap3A_590 = arith.index_cast %swap3A_589 : i32 to index
      %swap3A_591 = arith.index_cast %scan3A_521 : i32 to index
      %swap3A_592 = arith.constant 64 : index
      %swap3A_593 = tpu.vector_load %arg8[%swap3A_590, %swap3A_591, %swap3A_592] {strides = array<i32>} : memref<2x128x128xf32, #tpu.memory_space<vmem>>, vector<1x1x16xf32>,
      %swap3A_594 = vector.shape_cast %swap3A_593 : vector<1x1x16xf32> to vector<16xf32>
      %swap3A_595 = vector.shape_cast %add3A_588 : vector<16xf32> to vector<1x1x16xf32>
      tpu.vector_store %arg8[%swap3A_590, %swap3A_591, %swap3A_592], %swap3A_595 {strides = array<i32>} : memref<2x128x128xf32, #tpu.memory_space<vmem>>, vector<1x1x16xf32>,
      %get3A_596 = arith.constant 1 : i32
      %get3A_597 = arith.index_cast %get3A_596 : i32 to index
      %get3A_598 = arith.index_cast %scan3A_521 : i32 to index
      %get3A_599 = arith.constant 80 : index
      %get3A_600 = tpu.vector_load %arg7[%get3A_597, %get3A_598, %get3A_599] {strides = array<i32>} : memref<2x128x128xf32, #tpu.memory_space<vmem>>, vector<1x1x16xf32>,
      %get3A_601 = vector.shape_cast %get3A_600 : vector<1x1x16xf32> to vector<16xf32>
      %mul3A_602 = arith.mulf %get3A_601, %add3A_156 : vector<16xf32>
      %add3A_603 = arith.addf %mul3A_602, %add3A_159 : vector<16xf32>
      %swap3A_604 = arith.constant 1 : i32
      %swap3A_605 = arith.index_cast %swap3A_604 : i32 to index
      %swap3A_606 = arith.index_cast %scan3A_521 : i32 to index
      %swap3A_607 = arith.constant 80 : index
      %swap3A_608 = tpu.vector_load %arg8[%swap3A_605, %swap3A_606, %swap3A_607] {strides = array<i32>} : memref<2x128x128xf32, #tpu.memory_space<vmem>>, vector<1x1x16xf32>,
      %swap3A_609 = vector.shape_cast %swap3A_608 : vector<1x1x16xf32> to vector<16xf32>
      %swap3A_610 = vector.shape_cast %add3A_603 : vector<16xf32> to vector<1x1x16xf32>
      tpu.vector_store %arg8[%swap3A_605, %swap3A_606, %swap3A_607], %swap3A_610 {strides = array<i32>} : memref<2x128x128xf32, #tpu.memory_space<vmem>>, vector<1x1x16xf32>,
      %get3A_611 = arith.constant 1 : i32
      %get3A_612 = arith.index_cast %get3A_611 : i32 to index
      %get3A_613 = arith.index_cast %scan3A_521 : i32 to index
      %get3A_614 = arith.constant 96 : index
      %get3A_615 = tpu.vector_load %arg7[%get3A_612, %get3A_613, %get3A_614] {strides = array<i32>} : memref<2x128x128xf32, #tpu.memory_space<vmem>>, vector<1x1x16xf32>,
      %get3A_616 = vector.shape_cast %get3A_615 : vector<1x1x16xf32> to vector<16xf32>
      %mul3A_617 = arith.mulf %get3A_616, %add3A_182 : vector<16xf32>
      %add3A_618 = arith.addf %mul3A_617, %add3A_185 : vector<16xf32>
      %swap3A_619 = arith.constant 1 : i32
      %swap3A_620 = arith.index_cast %swap3A_619 : i32 to index
      %swap3A_621 = arith.index_cast %scan3A_521 : i32 to index
      %swap3A_622 = arith.constant 96 : index
      %swap3A_623 = tpu.vector_load %arg8[%swap3A_620, %swap3A_621, %swap3A_622] {strides = array<i32>} : memref<2x128x128xf32, #tpu.memory_space<vmem>>, vector<1x1x16xf32>,
      %swap3A_624 = vector.shape_cast %swap3A_623 : vector<1x1x16xf32> to vector<16xf32>
      %swap3A_625 = vector.shape_cast %add3A_618 : vector<16xf32> to vector<1x1x16xf32>
      tpu.vector_store %arg8[%swap3A_620, %swap3A_621, %swap3A_622], %swap3A_625 {strides = array<i32>} : memref<2x128x128xf32, #tpu.memory_space<vmem>>, vector<1x1x16xf32>,
      %get3A_626 = arith.constant 1 : i32
      %get3A_627 = arith.index_cast %get3A_626 : i32 to index
      %get3A_628 = arith.index_cast %scan3A_521 : i32 to index
      %get3A_629 = arith.constant 112 : index
      %get3A_630 = tpu.vector_load %arg7[%get3A_627, %get3A_628, %get3A_629] {strides = array<i32>} : memref<2x128x128xf32, #tpu.memory_space<vmem>>, vector<1x1x16xf32>,
      %get3A_631 = vector.shape_cast %get3A_630 : vector<1x1x16xf32> to vector<16xf32>
      %mul3A_632 = arith.mulf %get3A_631, %add3A_208 : vector<16xf32>
      %add3A_633 = arith.addf %mul3A_632, %add3A_211 : vector<16xf32>
      %swap3A_634 = arith.constant 1 : i32
      %swap3A_635 = arith.index_cast %swap3A_634 : i32 to index
      %swap3A_636 = arith.index_cast %scan3A_521 : i32 to index
      %swap3A_637 = arith.constant 112 : index
      %swap3A_638 = tpu.vector_load %arg8[%swap3A_635, %swap3A_636, %swap3A_637] {strides = array<i32>} : memref<2x128x128xf32, #tpu.memory_space<vmem>>, vector<1x1x16xf32>,
      %swap3A_639 = vector.shape_cast %swap3A_638 : vector<1x1x16xf32> to vector<16xf32>
      %swap3A_640 = vector.shape_cast %add3A_633 : vector<16xf32> to vector<1x1x16xf32>
      tpu.vector_store %arg8[%swap3A_635, %swap3A_636, %swap3A_637], %swap3A_640 {strides = array<i32>} : memref<2x128x128xf32, #tpu.memory_space<vmem>>, vector<1x1x16xf32>,
    }
    %scan3A_328 = arith.constant 128 : i32
    %add3A_329 = arith.constant 128 : i32
    %add3A_330 = arith.addi %mul3A_2, %add3A_329 : i32
    %dma_start3A_331 = arith.constant 1 : i32
    %dma_start3A_332 = arith.constant 1 : i32
    %dma_start3A_333 = arith.constant 0 : i32
    %dma_start3A_334 = arith.constant 0 : i32
    %dma_start3A_335 = tpu.memref_slice %arg8[%dma_start3A_331, %dma_start3A_333, %dma_start3A_334] : memref<2x128x128xf32, #tpu.memory_space<vmem>> -> memref<1x128x128xf32, #tpu.memory_space<vmem>>
    %dma_start3A_336 = tpu.memref_squeeze %dma_start3A_335 : memref<1x128x128xf32, #tpu.memory_space<vmem>> -> memref<128x128xf32, #tpu.memory_space<vmem>>
    %dma_start3A_337 = arith.constant 0 : i32
    %dma_start3A_338 = tpu.memref_slice %arg6[%add3A_330, %dma_start3A_337] : memref<16384x128xf32, #tpu.memory_space<hbm>> -> memref<128x128xf32, #tpu.memory_space<hbm>>
    %dma_start3A_339 = tpu.memref_slice %arg13[%dma_start3A_332] : memref<2x!tpu.dma_semaphore, #tpu.memory_space<semaphore_mem>> -> memref<1x!tpu.dma_semaphore, #tpu.memory_space<semaphore_mem>>
    %dma_start3A_340 = tpu.memref_squeeze %dma_start3A_339 : memref<1x!tpu.dma_semaphore, #tpu.memory_space<semaphore_mem>> -> memref<!tpu.dma_semaphore, #tpu.memory_space<semaphore_mem>>
    %dma_start3A_341 = arith.constant 0 : i32
    %dma_start3A_342 = tpu.memref_slice %arg6[%add3A_330, %dma_start3A_341] : memref<16384x128xf32, #tpu.memory_space<hbm>> -> memref<128x128xf32, #tpu.memory_space<hbm>>
    %dma_start3A_343 = arith.constant 0 : i32
    %dma_start3A_344 = arith.constant 0 : i32
    %dma_start3A_345 = tpu.memref_slice %arg8[%dma_start3A_331, %dma_start3A_343, %dma_start3A_344] : memref<2x128x128xf32, #tpu.memory_space<vmem>> -> memref<1x128x128xf32, #tpu.memory_space<vmem>>
    %dma_start3A_346 = tpu.memref_squeeze %dma_start3A_345 : memref<1x128x128xf32, #tpu.memory_space<vmem>> -> memref<128x128xf32, #tpu.memory_space<vmem>>
    tpu.enqueue_dma source(%dma_start3A_346 : memref<128x128xf32, #tpu.memory_space<vmem>>) target(%dma_start3A_342 : memref<128x128xf32, #tpu.memory_space<hbm>>) target_semaphore(%dma_start3A_340 : memref<!tpu.dma_semaphore, #tpu.memory_space<semaphore_mem>>)
    %add3A_347 = arith.constant 384 : i32
    %add3A_348 = arith.addi %mul3A_2, %add3A_347 : i32
    %dma_start3A_349 = arith.constant 1 : i32
    %dma_start3A_350 = arith.constant 1 : i32
    %dma_start3A_351 = arith.constant 0 : i32
    %dma_start3A_352 = arith.constant 0 : i32
    %dma_start3A_353 = tpu.memref_slice %arg7[%dma_start3A_349, %dma_start3A_351, %dma_start3A_352] : memref<2x128x128xf32, #tpu.memory_space<vmem>> -> memref<1x128x128xf32, #tpu.memory_space<vmem>>
    %dma_start3A_354 = tpu.memref_squeeze %dma_start3A_353 : memref<1x128x128xf32, #tpu.memory_space<vmem>> -> memref<128x128xf32, #tpu.memory_space<vmem>>
    %dma_start3A_355 = arith.constant 0 : i32
    %dma_start3A_356 = tpu.memref_slice %arg2[%add3A_348, %dma_start3A_355] : memref<16384x128xf32, #tpu.memory_space<hbm>> -> memref<128x128xf32, #tpu.memory_space<hbm>>
    %dma_start3A_357 = tpu.memref_slice %arg12[%dma_start3A_350] : memref<2x!tpu.dma_semaphore, #tpu.memory_space<semaphore_mem>> -> memref<1x!tpu.dma_semaphore, #tpu.memory_space<semaphore_mem>>
    %dma_start3A_358 = tpu.memref_squeeze %dma_start3A_357 : memref<1x!tpu.dma_semaphore, #tpu.memory_space<semaphore_mem>> -> memref<!tpu.dma_semaphore, #tpu.memory_space<semaphore_mem>>
    %dma_start3A_359 = arith.constant 0 : i32
    %dma_start3A_360 = arith.constant 0 : i32
    %dma_start3A_361 = tpu.memref_slice %arg7[%dma_start3A_349, %dma_start3A_359, %dma_start3A_360] : memref<2x128x128xf32, #tpu.memory_space<vmem>> -> memref<1x128x128xf32, #tpu.memory_space<vmem>>
    %dma_start3A_362 = tpu.memref_squeeze %dma_start3A_361 : memref<1x128x128xf32, #tpu.memory_space<vmem>> -> memref<128x128xf32, #tpu.memory_space<vmem>>
    %dma_start3A_363 = arith.constant 0 : i32
    %dma_start3A_364 = tpu.memref_slice %arg2[%add3A_348, %dma_start3A_363] : memref<16384x128xf32, #tpu.memory_space<hbm>> -> memref<128x128xf32, #tpu.memory_space<hbm>>
    tpu.enqueue_dma source(%dma_start3A_364 : memref<128x128xf32, #tpu.memory_space<hbm>>) target(%dma_start3A_362 : memref<128x128xf32, #tpu.memory_space<vmem>>) target_semaphore(%dma_start3A_358 : memref<!tpu.dma_semaphore, #tpu.memory_space<semaphore_mem>>)
    %add3A_365 = arith.constant 256 : i32
    %add3A_366 = arith.addi %mul3A_2, %add3A_365 : i32
    %dma_wait3A_367 = arith.constant 0 : i32
    %dma_wait3A_368 = arith.constant 0 : i32
    %dma_wait3A_369 = arith.constant 0 : i32
    %dma_wait3A_370 = arith.constant 0 : i32
    %dma_wait3A_371 = tpu.memref_slice %arg7[%dma_wait3A_367, %dma_wait3A_369, %dma_wait3A_370] : memref<2x128x128xf32, #tpu.memory_space<vmem>> -> memref<1x128x128xf32, #tpu.memory_space<vmem>>
    %dma_wait3A_372 = tpu.memref_squeeze %dma_wait3A_371 : memref<1x128x128xf32, #tpu.memory_space<vmem>> -> memref<128x128xf32, #tpu.memory_space<vmem>>
    %dma_wait3A_373 = arith.constant 0 : i32
    %dma_wait3A_374 = tpu.memref_slice %arg2[%add3A_366, %dma_wait3A_373] : memref<16384x128xf32, #tpu.memory_space<hbm>> -> memref<128x128xf32, #tpu.memory_space<hbm>>
    %dma_wait3A_375 = tpu.memref_slice %arg12[%dma_wait3A_368] : memref<2x!tpu.dma_semaphore, #tpu.memory_space<semaphore_mem>> -> memref<1x!tpu.dma_semaphore, #tpu.memory_space<semaphore_mem>>
    %dma_wait3A_376 = tpu.memref_squeeze %dma_wait3A_375 : memref<1x!tpu.dma_semaphore, #tpu.memory_space<semaphore_mem>> -> memref<!tpu.dma_semaphore, #tpu.memory_space<semaphore_mem>>
    %dma_wait3A_377 = arith.constant 0 : i32
    %dma_wait3A_378 = arith.constant 0 : i32
    %dma_wait3A_379 = tpu.memref_slice %arg7[%dma_wait3A_367, %dma_wait3A_377, %dma_wait3A_378] : memref<2x128x128xf32, #tpu.memory_space<vmem>> -> memref<1x128x128xf32, #tpu.memory_space<vmem>>
    %dma_wait3A_380 = tpu.memref_squeeze %dma_wait3A_379 : memref<1x128x128xf32, #tpu.memory_space<vmem>> -> memref<128x128xf32, #tpu.memory_space<vmem>>
    %dma_wait3A_381 = arith.constant 0 : i32
    %dma_wait3A_382 = tpu.memref_slice %arg2[%add3A_366, %dma_wait3A_381] : memref<16384x128xf32, #tpu.memory_space<hbm>> -> memref<128x128xf32, #tpu.memory_space<hbm>>
    tpu.wait_dma2 semaphore(%dma_wait3A_376 : memref<!tpu.dma_semaphore, #tpu.memory_space<semaphore_mem>>) src(%dma_wait3A_382 : memref<128x128xf32, #tpu.memory_space<hbm>>) dst(%dma_wait3A_380 : memref<128x128xf32, #tpu.memory_space<vmem>>)
    %add3A_383 = arith.constant 0 : i32
    %add3A_384 = arith.addi %mul3A_2, %add3A_383 : i32
    %dma_wait3A_385 = arith.constant 0 : i32
    %dma_wait3A_386 = arith.constant 0 : i32
    %dma_wait3A_387 = arith.constant 0 : i32
    %dma_wait3A_388 = arith.constant 0 : i32
    %dma_wait3A_389 = tpu.memref_slice %arg8[%dma_wait3A_385, %dma_wait3A_387, %dma_wait3A_388] : memref<2x128x128xf32, #tpu.memory_space<vmem>> -> memref<1x128x128xf32, #tpu.memory_space<vmem>>
    %dma_wait3A_390 = tpu.memref_squeeze %dma_wait3A_389 : memref<1x128x128xf32, #tpu.memory_space<vmem>> -> memref<128x128xf32, #tpu.memory_space<vmem>>
    %dma_wait3A_391 = arith.constant 0 : i32
    %dma_wait3A_392 = tpu.memref_slice %arg6[%add3A_384, %dma_wait3A_391] : memref<16384x128xf32, #tpu.memory_space<hbm>> -> memref<128x128xf32, #tpu.memory_space<hbm>>
    %dma_wait3A_393 = tpu.memref_slice %arg13[%dma_wait3A_386] : memref<2x!tpu.dma_semaphore, #tpu.memory_space<semaphore_mem>> -> memref<1x!tpu.dma_semaphore, #tpu.memory_space<semaphore_mem>>
    %dma_wait3A_394 = tpu.memref_squeeze %dma_wait3A_393 : memref<1x!tpu.dma_semaphore, #tpu.memory_space<semaphore_mem>> -> memref<!tpu.dma_semaphore, #tpu.memory_space<semaphore_mem>>
    %dma_wait3A_395 = arith.constant 0 : i32
    %dma_wait3A_396 = tpu.memref_slice %arg6[%add3A_384, %dma_wait3A_395] : memref<16384x128xf32, #tpu.memory_space<hbm>> -> memref<128x128xf32, #tpu.memory_space<hbm>>
    %dma_wait3A_397 = arith.constant 0 : i32
    %dma_wait3A_398 = arith.constant 0 : i32
    %dma_wait3A_399 = tpu.memref_slice %arg8[%dma_wait3A_385, %dma_wait3A_397, %dma_wait3A_398] : memref<2x128x128xf32, #tpu.memory_space<vmem>> -> memref<1x128x128xf32, #tpu.memory_space<vmem>>
    %dma_wait3A_400 = tpu.memref_squeeze %dma_wait3A_399 : memref<1x128x128xf32, #tpu.memory_space<vmem>> -> memref<128x128xf32, #tpu.memory_space<vmem>>
    tpu.wait_dma2 semaphore(%dma_wait3A_394 : memref<!tpu.dma_semaphore, #tpu.memory_space<semaphore_mem>>) src(%dma_wait3A_400 : memref<128x128xf32, #tpu.memory_space<vmem>>) dst(%dma_wait3A_396 : memref<128x128xf32, #tpu.memory_space<hbm>>)
    %scan3A_401 = arith.constant 0 : i32
    %scan3A_402 = arith.constant 0 : i32
    %scan3A_403 = arith.constant 128 : i32
    %scan3A_404 = arith.addi %scan3A_402, %scan3A_403 : i32
    %scan3A_405 = arith.constant 1 : i32
    scf.for %scan3A_521 = %scan3A_402 to %scan3A_404 step %scan3A_405  : i32 {
      %get3A_522 = arith.constant 0 : i32
      %get3A_523 = arith.index_cast %get3A_522 : i32 to index
      %get3A_524 = arith.index_cast %scan3A_521 : i32 to index
      %get3A_525 = arith.constant 0 : index
      %get3A_526 = tpu.vector_load %arg7[%get3A_523, %get3A_524, %get3A_525] {strides = array<i32>} : memref<2x128x128xf32, #tpu.memory_space<vmem>>, vector<1x1x16xf32>,
      %get3A_527 = vector.shape_cast %get3A_526 : vector<1x1x16xf32> to vector<16xf32>
      %mul3A_528 = arith.mulf %get3A_527, %add3A_26 : vector<16xf32>
      %add3A_529 = arith.addf %mul3A_528, %add3A_29 : vector<16xf32>
      %swap3A = arith.constant 0 : i32
      %swap3A_530 = arith.index_cast %swap3A : i32 to index
      %swap3A_531 = arith.index_cast %scan3A_521 : i32 to index
      %swap3A_532 = arith.constant 0 : index
      %swap3A_533 = tpu.vector_load %arg8[%swap3A_530, %swap3A_531, %swap3A_532] {strides = array<i32>} : memref<2x128x128xf32, #tpu.memory_space<vmem>>, vector<1x1x16xf32>,
      %swap3A_534 = vector.shape_cast %swap3A_533 : vector<1x1x16xf32> to vector<16xf32>
      %swap3A_535 = vector.shape_cast %add3A_529 : vector<16xf32> to vector<1x1x16xf32>
      tpu.vector_store %arg8[%swap3A_530, %swap3A_531, %swap3A_532], %swap3A_535 {strides = array<i32>} : memref<2x128x128xf32, #tpu.memory_space<vmem>>, vector<1x1x16xf32>,
      %get3A_536 = arith.constant 0 : i32
      %get3A_537 = arith.index_cast %get3A_536 : i32 to index
      %get3A_538 = arith.index_cast %scan3A_521 : i32 to index
      %get3A_539 = arith.constant 16 : index
      %get3A_540 = tpu.vector_load %arg7[%get3A_537, %get3A_538, %get3A_539] {strides = array<i32>} : memref<2x128x128xf32, #tpu.memory_space<vmem>>, vector<1x1x16xf32>,
      %get3A_541 = vector.shape_cast %get3A_540 : vector<1x1x16xf32> to vector<16xf32>
      %mul3A_542 = arith.mulf %get3A_541, %add3A_52 : vector<16xf32>
      %add3A_543 = arith.addf %mul3A_542, %add3A_55 : vector<16xf32>
      %swap3A_544 = arith.constant 0 : i32
      %swap3A_545 = arith.index_cast %swap3A_544 : i32 to index
      %swap3A_546 = arith.index_cast %scan3A_521 : i32 to index
      %swap3A_547 = arith.constant 16 : index
      %swap3A_548 = tpu.vector_load %arg8[%swap3A_545, %swap3A_546, %swap3A_547] {strides = array<i32>} : memref<2x128x128xf32, #tpu.memory_space<vmem>>, vector<1x1x16xf32>,
      %swap3A_549 = vector.shape_cast %swap3A_548 : vector<1x1x16xf32> to vector<16xf32>
      %swap3A_550 = vector.shape_cast %add3A_543 : vector<16xf32> to vector<1x1x16xf32>
      tpu.vector_store %arg8[%swap3A_545, %swap3A_546, %swap3A_547], %swap3A_550 {strides = array<i32>} : memref<2x128x128xf32, #tpu.memory_space<vmem>>, vector<1x1x16xf32>,
      %get3A_551 = arith.constant 0 : i32
      %get3A_552 = arith.index_cast %get3A_551 : i32 to index
      %get3A_553 = arith.index_cast %scan3A_521 : i32 to index
      %get3A_554 = arith.constant 32 : index
      %get3A_555 = tpu.vector_load %arg7[%get3A_552, %get3A_553, %get3A_554] {strides = array<i32>} : memref<2x128x128xf32, #tpu.memory_space<vmem>>, vector<1x1x16xf32>,
      %get3A_556 = vector.shape_cast %get3A_555 : vector<1x1x16xf32> to vector<16xf32>
      %mul3A_557 = arith.mulf %get3A_556, %add3A_78 : vector<16xf32>
      %add3A_558 = arith.addf %mul3A_557, %add3A_81 : vector<16xf32>
      %swap3A_559 = arith.constant 0 : i32
      %swap3A_560 = arith.index_cast %swap3A_559 : i32 to index
      %swap3A_561 = arith.index_cast %scan3A_521 : i32 to index
      %swap3A_562 = arith.constant 32 : index
      %swap3A_563 = tpu.vector_load %arg8[%swap3A_560, %swap3A_561, %swap3A_562] {strides = array<i32>} : memref<2x128x128xf32, #tpu.memory_space<vmem>>, vector<1x1x16xf32>,
      %swap3A_564 = vector.shape_cast %swap3A_563 : vector<1x1x16xf32> to vector<16xf32>
      %swap3A_565 = vector.shape_cast %add3A_558 : vector<16xf32> to vector<1x1x16xf32>
      tpu.vector_store %arg8[%swap3A_560, %swap3A_561, %swap3A_562], %swap3A_565 {strides = array<i32>} : memref<2x128x128xf32, #tpu.memory_space<vmem>>, vector<1x1x16xf32>,
      %get3A_566 = arith.constant 0 : i32
      %get3A_567 = arith.index_cast %get3A_566 : i32 to index
      %get3A_568 = arith.index_cast %scan3A_521 : i32 to index
      %get3A_569 = arith.constant 48 : index
      %get3A_570 = tpu.vector_load %arg7[%get3A_567, %get3A_568, %get3A_569] {strides = array<i32>} : memref<2x128x128xf32, #tpu.memory_space<vmem>>, vector<1x1x16xf32>,
      %get3A_571 = vector.shape_cast %get3A_570 : vector<1x1x16xf32> to vector<16xf32>
      %mul3A_572 = arith.mulf %get3A_571, %add3A_104 : vector<16xf32>
      %add3A_573 = arith.addf %mul3A_572, %add3A_107 : vector<16xf32>
      %swap3A_574 = arith.constant 0 : i32
      %swap3A_575 = arith.index_cast %swap3A_574 : i32 to index
      %swap3A_576 = arith.index_cast %scan3A_521 : i32 to index
      %swap3A_577 = arith.constant 48 : index
      %swap3A_578 = tpu.vector_load %arg8[%swap3A_575, %swap3A_576, %swap3A_577] {strides = array<i32>} : memref<2x128x128xf32, #tpu.memory_space<vmem>>, vector<1x1x16xf32>,
      %swap3A_579 = vector.shape_cast %swap3A_578 : vector<1x1x16xf32> to vector<16xf32>
      %swap3A_580 = vector.shape_cast %add3A_573 : vector<16xf32> to vector<1x1x16xf32>
      tpu.vector_store %arg8[%swap3A_575, %swap3A_576, %swap3A_577], %swap3A_580 {strides = array<i32>} : memref<2x128x128xf32, #tpu.memory_space<vmem>>, vector<1x1x16xf32>,
      %get3A_581 = arith.constant 0 : i32
      %get3A_582 = arith.index_cast %get3A_581 : i32 to index
      %get3A_583 = arith.index_cast %scan3A_521 : i32 to index
      %get3A_584 = arith.constant 64 : index
      %get3A_585 = tpu.vector_load %arg7[%get3A_582, %get3A_583, %get3A_584] {strides = array<i32>} : memref<2x128x128xf32, #tpu.memory_space<vmem>>, vector<1x1x16xf32>,
      %get3A_586 = vector.shape_cast %get3A_585 : vector<1x1x16xf32> to vector<16xf32>
      %mul3A_587 = arith.mulf %get3A_586, %add3A_130 : vector<16xf32>
      %add3A_588 = arith.addf %mul3A_587, %add3A_133 : vector<16xf32>
      %swap3A_589 = arith.constant 0 : i32
      %swap3A_590 = arith.index_cast %swap3A_589 : i32 to index
      %swap3A_591 = arith.index_cast %scan3A_521 : i32 to index
      %swap3A_592 = arith.constant 64 : index
      %swap3A_593 = tpu.vector_load %arg8[%swap3A_590, %swap3A_591, %swap3A_592] {strides = array<i32>} : memref<2x128x128xf32, #tpu.memory_space<vmem>>, vector<1x1x16xf32>,
      %swap3A_594 = vector.shape_cast %swap3A_593 : vector<1x1x16xf32> to vector<16xf32>
      %swap3A_595 = vector.shape_cast %add3A_588 : vector<16xf32> to vector<1x1x16xf32>
      tpu.vector_store %arg8[%swap3A_590, %swap3A_591, %swap3A_592], %swap3A_595 {strides = array<i32>} : memref<2x128x128xf32, #tpu.memory_space<vmem>>, vector<1x1x16xf32>,
      %get3A_596 = arith.constant 0 : i32
      %get3A_597 = arith.index_cast %get3A_596 : i32 to index
      %get3A_598 = arith.index_cast %scan3A_521 : i32 to index
      %get3A_599 = arith.constant 80 : index
      %get3A_600 = tpu.vector_load %arg7[%get3A_597, %get3A_598, %get3A_599] {strides = array<i32>} : memref<2x128x128xf32, #tpu.memory_space<vmem>>, vector<1x1x16xf32>,
      %get3A_601 = vector.shape_cast %get3A_600 : vector<1x1x16xf32> to vector<16xf32>
      %mul3A_602 = arith.mulf %get3A_601, %add3A_156 : vector<16xf32>
      %add3A_603 = arith.addf %mul3A_602, %add3A_159 : vector<16xf32>
      %swap3A_604 = arith.constant 0 : i32
      %swap3A_605 = arith.index_cast %swap3A_604 : i32 to index
      %swap3A_606 = arith.index_cast %scan3A_521 : i32 to index
      %swap3A_607 = arith.constant 80 : index
      %swap3A_608 = tpu.vector_load %arg8[%swap3A_605, %swap3A_606, %swap3A_607] {strides = array<i32>} : memref<2x128x128xf32, #tpu.memory_space<vmem>>, vector<1x1x16xf32>,
      %swap3A_609 = vector.shape_cast %swap3A_608 : vector<1x1x16xf32> to vector<16xf32>
      %swap3A_610 = vector.shape_cast %add3A_603 : vector<16xf32> to vector<1x1x16xf32>
      tpu.vector_store %arg8[%swap3A_605, %swap3A_606, %swap3A_607], %swap3A_610 {strides = array<i32>} : memref<2x128x128xf32, #tpu.memory_space<vmem>>, vector<1x1x16xf32>,
      %get3A_611 = arith.constant 0 : i32
      %get3A_612 = arith.index_cast %get3A_611 : i32 to index
      %get3A_613 = arith.index_cast %scan3A_521 : i32 to index
      %get3A_614 = arith.constant 96 : index
      %get3A_615 = tpu.vector_load %arg7[%get3A_612, %get3A_613, %get3A_614] {strides = array<i32>} : memref<2x128x128xf32, #tpu.memory_space<vmem>>, vector<1x1x16xf32>,
      %get3A_616 = vector.shape_cast %get3A_615 : vector<1x1x16xf32> to vector<16xf32>
      %mul3A_617 = arith.mulf %get3A_616, %add3A_182 : vector<16xf32>
      %add3A_618 = arith.addf %mul3A_617, %add3A_185 : vector<16xf32>
      %swap3A_619 = arith.constant 0 : i32
      %swap3A_620 = arith.index_cast %swap3A_619 : i32 to index
      %swap3A_621 = arith.index_cast %scan3A_521 : i32 to index
      %swap3A_622 = arith.constant 96 : index
      %swap3A_623 = tpu.vector_load %arg8[%swap3A_620, %swap3A_621, %swap3A_622] {strides = array<i32>} : memref<2x128x128xf32, #tpu.memory_space<vmem>>, vector<1x1x16xf32>,
      %swap3A_624 = vector.shape_cast %swap3A_623 : vector<1x1x16xf32> to vector<16xf32>
      %swap3A_625 = vector.shape_cast %add3A_618 : vector<16xf32> to vector<1x1x16xf32>
      tpu.vector_store %arg8[%swap3A_620, %swap3A_621, %swap3A_622], %swap3A_625 {strides = array<i32>} : memref<2x128x128xf32, #tpu.memory_space<vmem>>, vector<1x1x16xf32>,
      %get3A_626 = arith.constant 0 : i32
      %get3A_627 = arith.index_cast %get3A_626 : i32 to index
      %get3A_628 = arith.index_cast %scan3A_521 : i32 to index
      %get3A_629 = arith.constant 112 : index
      %get3A_630 = tpu.vector_load %arg7[%get3A_627, %get3A_628, %get3A_629] {strides = array<i32>} : memref<2x128x128xf32, #tpu.memory_space<vmem>>, vector<1x1x16xf32>,
      %get3A_631 = vector.shape_cast %get3A_630 : vector<1x1x16xf32> to vector<16xf32>
      %mul3A_632 = arith.mulf %get3A_631, %add3A_208 : vector<16xf32>
      %add3A_633 = arith.addf %mul3A_632, %add3A_211 : vector<16xf32>
      %swap3A_634 = arith.constant 0 : i32
      %swap3A_635 = arith.index_cast %swap3A_634 : i32 to index
      %swap3A_636 = arith.index_cast %scan3A_521 : i32 to index
      %swap3A_637 = arith.constant 112 : index
      %swap3A_638 = tpu.vector_load %arg8[%swap3A_635, %swap3A_636, %swap3A_637] {strides = array<i32>} : memref<2x128x128xf32, #tpu.memory_space<vmem>>, vector<1x1x16xf32>,
      %swap3A_639 = vector.shape_cast %swap3A_638 : vector<1x1x16xf32> to vector<16xf32>
      %swap3A_640 = vector.shape_cast %add3A_633 : vector<16xf32> to vector<1x1x16xf32>
      tpu.vector_store %arg8[%swap3A_635, %swap3A_636, %swap3A_637], %swap3A_640 {strides = array<i32>} : memref<2x128x128xf32, #tpu.memory_space<vmem>>, vector<1x1x16xf32>,
    }
    %scan3A_406 = arith.constant 128 : i32
    %add3A_407 = arith.constant 256 : i32
    %add3A_408 = arith.addi %mul3A_2, %add3A_407 : i32
    %dma_start3A_409 = arith.constant 0 : i32
    %dma_start3A_410 = arith.constant 0 : i32
    %dma_start3A_411 = arith.constant 0 : i32
    %dma_start3A_412 = arith.constant 0 : i32
    %dma_start3A_413 = tpu.memref_slice %arg8[%dma_start3A_409, %dma_start3A_411, %dma_start3A_412] : memref<2x128x128xf32, #tpu.memory_space<vmem>> -> memref<1x128x128xf32, #tpu.memory_space<vmem>>
    %dma_start3A_414 = tpu.memref_squeeze %dma_start3A_413 : memref<1x128x128xf32, #tpu.memory_space<vmem>> -> memref<128x128xf32, #tpu.memory_space<vmem>>
    %dma_start3A_415 = arith.constant 0 : i32
    %dma_start3A_416 = tpu.memref_slice %arg6[%add3A_408, %dma_start3A_415] : memref<16384x128xf32, #tpu.memory_space<hbm>> -> memref<128x128xf32, #tpu.memory_space<hbm>>
    %dma_start3A_417 = tpu.memref_slice %arg13[%dma_start3A_410] : memref<2x!tpu.dma_semaphore, #tpu.memory_space<semaphore_mem>> -> memref<1x!tpu.dma_semaphore, #tpu.memory_space<semaphore_mem>>
    %dma_start3A_418 = tpu.memref_squeeze %dma_start3A_417 : memref<1x!tpu.dma_semaphore, #tpu.memory_space<semaphore_mem>> -> memref<!tpu.dma_semaphore, #tpu.memory_space<semaphore_mem>>
    %dma_start3A_419 = arith.constant 0 : i32
    %dma_start3A_420 = tpu.memref_slice %arg6[%add3A_408, %dma_start3A_419] : memref<16384x128xf32, #tpu.memory_space<hbm>> -> memref<128x128xf32, #tpu.memory_space<hbm>>
    %dma_start3A_421 = arith.constant 0 : i32
    %dma_start3A_422 = arith.constant 0 : i32
    %dma_start3A_423 = tpu.memref_slice %arg8[%dma_start3A_409, %dma_start3A_421, %dma_start3A_422] : memref<2x128x128xf32, #tpu.memory_space<vmem>> -> memref<1x128x128xf32, #tpu.memory_space<vmem>>
    %dma_start3A_424 = tpu.memref_squeeze %dma_start3A_423 : memref<1x128x128xf32, #tpu.memory_space<vmem>> -> memref<128x128xf32, #tpu.memory_space<vmem>>
    tpu.enqueue_dma source(%dma_start3A_424 : memref<128x128xf32, #tpu.memory_space<vmem>>) target(%dma_start3A_420 : memref<128x128xf32, #tpu.memory_space<hbm>>) target_semaphore(%dma_start3A_418 : memref<!tpu.dma_semaphore, #tpu.memory_space<semaphore_mem>>)
    %add3A_425 = arith.constant 384 : i32
    %add3A_426 = arith.addi %mul3A_2, %add3A_425 : i32
    %dma_wait3A_427 = arith.constant 1 : i32
    %dma_wait3A_428 = arith.constant 1 : i32
    %dma_wait3A_429 = arith.constant 0 : i32
    %dma_wait3A_430 = arith.constant 0 : i32
    %dma_wait3A_431 = tpu.memref_slice %arg7[%dma_wait3A_427, %dma_wait3A_429, %dma_wait3A_430] : memref<2x128x128xf32, #tpu.memory_space<vmem>> -> memref<1x128x128xf32, #tpu.memory_space<vmem>>
    %dma_wait3A_432 = tpu.memref_squeeze %dma_wait3A_431 : memref<1x128x128xf32, #tpu.memory_space<vmem>> -> memref<128x128xf32, #tpu.memory_space<vmem>>
    %dma_wait3A_433 = arith.constant 0 : i32
    %dma_wait3A_434 = tpu.memref_slice %arg2[%add3A_426, %dma_wait3A_433] : memref<16384x128xf32, #tpu.memory_space<hbm>> -> memref<128x128xf32, #tpu.memory_space<hbm>>
    %dma_wait3A_435 = tpu.memref_slice %arg12[%dma_wait3A_428] : memref<2x!tpu.dma_semaphore, #tpu.memory_space<semaphore_mem>> -> memref<1x!tpu.dma_semaphore, #tpu.memory_space<semaphore_mem>>
    %dma_wait3A_436 = tpu.memref_squeeze %dma_wait3A_435 : memref<1x!tpu.dma_semaphore, #tpu.memory_space<semaphore_mem>> -> memref<!tpu.dma_semaphore, #tpu.memory_space<semaphore_mem>>
    %dma_wait3A_437 = arith.constant 0 : i32
    %dma_wait3A_438 = arith.constant 0 : i32
    %dma_wait3A_439 = tpu.memref_slice %arg7[%dma_wait3A_427, %dma_wait3A_437, %dma_wait3A_438] : memref<2x128x128xf32, #tpu.memory_space<vmem>> -> memref<1x128x128xf32, #tpu.memory_space<vmem>>
    %dma_wait3A_440 = tpu.memref_squeeze %dma_wait3A_439 : memref<1x128x128xf32, #tpu.memory_space<vmem>> -> memref<128x128xf32, #tpu.memory_space<vmem>>
    %dma_wait3A_441 = arith.constant 0 : i32
    %dma_wait3A_442 = tpu.memref_slice %arg2[%add3A_426, %dma_wait3A_441] : memref<16384x128xf32, #tpu.memory_space<hbm>> -> memref<128x128xf32, #tpu.memory_space<hbm>>
    tpu.wait_dma2 semaphore(%dma_wait3A_436 : memref<!tpu.dma_semaphore, #tpu.memory_space<semaphore_mem>>) src(%dma_wait3A_442 : memref<128x128xf32, #tpu.memory_space<hbm>>) dst(%dma_wait3A_440 : memref<128x128xf32, #tpu.memory_space<vmem>>)
    %add3A_443 = arith.constant 128 : i32
    %add3A_444 = arith.addi %mul3A_2, %add3A_443 : i32
    %dma_wait3A_445 = arith.constant 1 : i32
    %dma_wait3A_446 = arith.constant 1 : i32
    %dma_wait3A_447 = arith.constant 0 : i32
    %dma_wait3A_448 = arith.constant 0 : i32
    %dma_wait3A_449 = tpu.memref_slice %arg8[%dma_wait3A_445, %dma_wait3A_447, %dma_wait3A_448] : memref<2x128x128xf32, #tpu.memory_space<vmem>> -> memref<1x128x128xf32, #tpu.memory_space<vmem>>
    %dma_wait3A_450 = tpu.memref_squeeze %dma_wait3A_449 : memref<1x128x128xf32, #tpu.memory_space<vmem>> -> memref<128x128xf32, #tpu.memory_space<vmem>>
    %dma_wait3A_451 = arith.constant 0 : i32
    %dma_wait3A_452 = tpu.memref_slice %arg6[%add3A_444, %dma_wait3A_451] : memref<16384x128xf32, #tpu.memory_space<hbm>> -> memref<128x128xf32, #tpu.memory_space<hbm>>
    %dma_wait3A_453 = tpu.memref_slice %arg13[%dma_wait3A_446] : memref<2x!tpu.dma_semaphore, #tpu.memory_space<semaphore_mem>> -> memref<1x!tpu.dma_semaphore, #tpu.memory_space<semaphore_mem>>
    %dma_wait3A_454 = tpu.memref_squeeze %dma_wait3A_453 : memref<1x!tpu.dma_semaphore, #tpu.memory_space<semaphore_mem>> -> memref<!tpu.dma_semaphore, #tpu.memory_space<semaphore_mem>>
    %dma_wait3A_455 = arith.constant 0 : i32
    %dma_wait3A_456 = tpu.memref_slice %arg6[%add3A_444, %dma_wait3A_455] : memref<16384x128xf32, #tpu.memory_space<hbm>> -> memref<128x128xf32, #tpu.memory_space<hbm>>
    %dma_wait3A_457 = arith.constant 0 : i32
    %dma_wait3A_458 = arith.constant 0 : i32
    %dma_wait3A_459 = tpu.memref_slice %arg8[%dma_wait3A_445, %dma_wait3A_457, %dma_wait3A_458] : memref<2x128x128xf32, #tpu.memory_space<vmem>> -> memref<1x128x128xf32, #tpu.memory_space<vmem>>
    %dma_wait3A_460 = tpu.memref_squeeze %dma_wait3A_459 : memref<1x128x128xf32, #tpu.memory_space<vmem>> -> memref<128x128xf32, #tpu.memory_space<vmem>>
    tpu.wait_dma2 semaphore(%dma_wait3A_454 : memref<!tpu.dma_semaphore, #tpu.memory_space<semaphore_mem>>) src(%dma_wait3A_460 : memref<128x128xf32, #tpu.memory_space<vmem>>) dst(%dma_wait3A_456 : memref<128x128xf32, #tpu.memory_space<hbm>>)
    %scan3A_461 = arith.constant 0 : i32
    %scan3A_462 = arith.constant 0 : i32
    %scan3A_463 = arith.constant 128 : i32
    %scan3A_464 = arith.addi %scan3A_462, %scan3A_463 : i32
    %scan3A_465 = arith.constant 1 : i32
    scf.for %scan3A_521 = %scan3A_462 to %scan3A_464 step %scan3A_465  : i32 {
      %get3A_522 = arith.constant 1 : i32
      %get3A_523 = arith.index_cast %get3A_522 : i32 to index
      %get3A_524 = arith.index_cast %scan3A_521 : i32 to index
      %get3A_525 = arith.constant 0 : index
      %get3A_526 = tpu.vector_load %arg7[%get3A_523, %get3A_524, %get3A_525] {strides = array<i32>} : memref<2x128x128xf32, #tpu.memory_space<vmem>>, vector<1x1x16xf32>,
      %get3A_527 = vector.shape_cast %get3A_526 : vector<1x1x16xf32> to vector<16xf32>
      %mul3A_528 = arith.mulf %get3A_527, %add3A_26 : vector<16xf32>
      %add3A_529 = arith.addf %mul3A_528, %add3A_29 : vector<16xf32>
      %swap3A = arith.constant 1 : i32
      %swap3A_530 = arith.index_cast %swap3A : i32 to index
      %swap3A_531 = arith.index_cast %scan3A_521 : i32 to index
      %swap3A_532 = arith.constant 0 : index
      %swap3A_533 = tpu.vector_load %arg8[%swap3A_530, %swap3A_531, %swap3A_532] {strides = array<i32>} : memref<2x128x128xf32, #tpu.memory_space<vmem>>, vector<1x1x16xf32>,
      %swap3A_534 = vector.shape_cast %swap3A_533 : vector<1x1x16xf32> to vector<16xf32>
      %swap3A_535 = vector.shape_cast %add3A_529 : vector<16xf32> to vector<1x1x16xf32>
      tpu.vector_store %arg8[%swap3A_530, %swap3A_531, %swap3A_532], %swap3A_535 {strides = array<i32>} : memref<2x128x128xf32, #tpu.memory_space<vmem>>, vector<1x1x16xf32>,
      %get3A_536 = arith.constant 1 : i32
      %get3A_537 = arith.index_cast %get3A_536 : i32 to index
      %get3A_538 = arith.index_cast %scan3A_521 : i32 to index
      %get3A_539 = arith.constant 16 : index
      %get3A_540 = tpu.vector_load %arg7[%get3A_537, %get3A_538, %get3A_539] {strides = array<i32>} : memref<2x128x128xf32, #tpu.memory_space<vmem>>, vector<1x1x16xf32>,
      %get3A_541 = vector.shape_cast %get3A_540 : vector<1x1x16xf32> to vector<16xf32>
      %mul3A_542 = arith.mulf %get3A_541, %add3A_52 : vector<16xf32>
      %add3A_543 = arith.addf %mul3A_542, %add3A_55 : vector<16xf32>
      %swap3A_544 = arith.constant 1 : i32
      %swap3A_545 = arith.index_cast %swap3A_544 : i32 to index
      %swap3A_546 = arith.index_cast %scan3A_521 : i32 to index
      %swap3A_547 = arith.constant 16 : index
      %swap3A_548 = tpu.vector_load %arg8[%swap3A_545, %swap3A_546, %swap3A_547] {strides = array<i32>} : memref<2x128x128xf32, #tpu.memory_space<vmem>>, vector<1x1x16xf32>,
      %swap3A_549 = vector.shape_cast %swap3A_548 : vector<1x1x16xf32> to vector<16xf32>
      %swap3A_550 = vector.shape_cast %add3A_543 : vector<16xf32> to vector<1x1x16xf32>
      tpu.vector_store %arg8[%swap3A_545, %swap3A_546, %swap3A_547], %swap3A_550 {strides = array<i32>} : memref<2x128x128xf32, #tpu.memory_space<vmem>>, vector<1x1x16xf32>,
      %get3A_551 = arith.constant 1 : i32
      %get3A_552 = arith.index_cast %get3A_551 : i32 to index
      %get3A_553 = arith.index_cast %scan3A_521 : i32 to index
      %get3A_554 = arith.constant 32 : index
      %get3A_555 = tpu.vector_load %arg7[%get3A_552, %get3A_553, %get3A_554] {strides = array<i32>} : memref<2x128x128xf32, #tpu.memory_space<vmem>>, vector<1x1x16xf32>,
      %get3A_556 = vector.shape_cast %get3A_555 : vector<1x1x16xf32> to vector<16xf32>
      %mul3A_557 = arith.mulf %get3A_556, %add3A_78 : vector<16xf32>
      %add3A_558 = arith.addf %mul3A_557, %add3A_81 : vector<16xf32>
      %swap3A_559 = arith.constant 1 : i32
      %swap3A_560 = arith.index_cast %swap3A_559 : i32 to index
      %swap3A_561 = arith.index_cast %scan3A_521 : i32 to index
      %swap3A_562 = arith.constant 32 : index
      %swap3A_563 = tpu.vector_load %arg8[%swap3A_560, %swap3A_561, %swap3A_562] {strides = array<i32>} : memref<2x128x128xf32, #tpu.memory_space<vmem>>, vector<1x1x16xf32>,
      %swap3A_564 = vector.shape_cast %swap3A_563 : vector<1x1x16xf32> to vector<16xf32>
      %swap3A_565 = vector.shape_cast %add3A_558 : vector<16xf32> to vector<1x1x16xf32>
      tpu.vector_store %arg8[%swap3A_560, %swap3A_561, %swap3A_562], %swap3A_565 {strides = array<i32>} : memref<2x128x128xf32, #tpu.memory_space<vmem>>, vector<1x1x16xf32>,
      %get3A_566 = arith.constant 1 : i32
      %get3A_567 = arith.index_cast %get3A_566 : i32 to index
      %get3A_568 = arith.index_cast %scan3A_521 : i32 to index
      %get3A_569 = arith.constant 48 : index
      %get3A_570 = tpu.vector_load %arg7[%get3A_567, %get3A_568, %get3A_569] {strides = array<i32>} : memref<2x128x128xf32, #tpu.memory_space<vmem>>, vector<1x1x16xf32>,
      %get3A_571 = vector.shape_cast %get3A_570 : vector<1x1x16xf32> to vector<16xf32>
      %mul3A_572 = arith.mulf %get3A_571, %add3A_104 : vector<16xf32>
      %add3A_573 = arith.addf %mul3A_572, %add3A_107 : vector<16xf32>
      %swap3A_574 = arith.constant 1 : i32
      %swap3A_575 = arith.index_cast %swap3A_574 : i32 to index
      %swap3A_576 = arith.index_cast %scan3A_521 : i32 to index
      %swap3A_577 = arith.constant 48 : index
      %swap3A_578 = tpu.vector_load %arg8[%swap3A_575, %swap3A_576, %swap3A_577] {strides = array<i32>} : memref<2x128x128xf32, #tpu.memory_space<vmem>>, vector<1x1x16xf32>,
      %swap3A_579 = vector.shape_cast %swap3A_578 : vector<1x1x16xf32> to vector<16xf32>
      %swap3A_580 = vector.shape_cast %add3A_573 : vector<16xf32> to vector<1x1x16xf32>
      tpu.vector_store %arg8[%swap3A_575, %swap3A_576, %swap3A_577], %swap3A_580 {strides = array<i32>} : memref<2x128x128xf32, #tpu.memory_space<vmem>>, vector<1x1x16xf32>,
      %get3A_581 = arith.constant 1 : i32
      %get3A_582 = arith.index_cast %get3A_581 : i32 to index
      %get3A_583 = arith.index_cast %scan3A_521 : i32 to index
      %get3A_584 = arith.constant 64 : index
      %get3A_585 = tpu.vector_load %arg7[%get3A_582, %get3A_583, %get3A_584] {strides = array<i32>} : memref<2x128x128xf32, #tpu.memory_space<vmem>>, vector<1x1x16xf32>,
      %get3A_586 = vector.shape_cast %get3A_585 : vector<1x1x16xf32> to vector<16xf32>
      %mul3A_587 = arith.mulf %get3A_586, %add3A_130 : vector<16xf32>
      %add3A_588 = arith.addf %mul3A_587, %add3A_133 : vector<16xf32>
      %swap3A_589 = arith.constant 1 : i32
      %swap3A_590 = arith.index_cast %swap3A_589 : i32 to index
      %swap3A_591 = arith.index_cast %scan3A_521 : i32 to index
      %swap3A_592 = arith.constant 64 : index
      %swap3A_593 = tpu.vector_load %arg8[%swap3A_590, %swap3A_591, %swap3A_592] {strides = array<i32>} : memref<2x128x128xf32, #tpu.memory_space<vmem>>, vector<1x1x16xf32>,
      %swap3A_594 = vector.shape_cast %swap3A_593 : vector<1x1x16xf32> to vector<16xf32>
      %swap3A_595 = vector.shape_cast %add3A_588 : vector<16xf32> to vector<1x1x16xf32>
      tpu.vector_store %arg8[%swap3A_590, %swap3A_591, %swap3A_592], %swap3A_595 {strides = array<i32>} : memref<2x128x128xf32, #tpu.memory_space<vmem>>, vector<1x1x16xf32>,
      %get3A_596 = arith.constant 1 : i32
      %get3A_597 = arith.index_cast %get3A_596 : i32 to index
      %get3A_598 = arith.index_cast %scan3A_521 : i32 to index
      %get3A_599 = arith.constant 80 : index
      %get3A_600 = tpu.vector_load %arg7[%get3A_597, %get3A_598, %get3A_599] {strides = array<i32>} : memref<2x128x128xf32, #tpu.memory_space<vmem>>, vector<1x1x16xf32>,
      %get3A_601 = vector.shape_cast %get3A_600 : vector<1x1x16xf32> to vector<16xf32>
      %mul3A_602 = arith.mulf %get3A_601, %add3A_156 : vector<16xf32>
      %add3A_603 = arith.addf %mul3A_602, %add3A_159 : vector<16xf32>
      %swap3A_604 = arith.constant 1 : i32
      %swap3A_605 = arith.index_cast %swap3A_604 : i32 to index
      %swap3A_606 = arith.index_cast %scan3A_521 : i32 to index
      %swap3A_607 = arith.constant 80 : index
      %swap3A_608 = tpu.vector_load %arg8[%swap3A_605, %swap3A_606, %swap3A_607] {strides = array<i32>} : memref<2x128x128xf32, #tpu.memory_space<vmem>>, vector<1x1x16xf32>,
      %swap3A_609 = vector.shape_cast %swap3A_608 : vector<1x1x16xf32> to vector<16xf32>
      %swap3A_610 = vector.shape_cast %add3A_603 : vector<16xf32> to vector<1x1x16xf32>
      tpu.vector_store %arg8[%swap3A_605, %swap3A_606, %swap3A_607], %swap3A_610 {strides = array<i32>} : memref<2x128x128xf32, #tpu.memory_space<vmem>>, vector<1x1x16xf32>,
      %get3A_611 = arith.constant 1 : i32
      %get3A_612 = arith.index_cast %get3A_611 : i32 to index
      %get3A_613 = arith.index_cast %scan3A_521 : i32 to index
      %get3A_614 = arith.constant 96 : index
      %get3A_615 = tpu.vector_load %arg7[%get3A_612, %get3A_613, %get3A_614] {strides = array<i32>} : memref<2x128x128xf32, #tpu.memory_space<vmem>>, vector<1x1x16xf32>,
      %get3A_616 = vector.shape_cast %get3A_615 : vector<1x1x16xf32> to vector<16xf32>
      %mul3A_617 = arith.mulf %get3A_616, %add3A_182 : vector<16xf32>
      %add3A_618 = arith.addf %mul3A_617, %add3A_185 : vector<16xf32>
      %swap3A_619 = arith.constant 1 : i32
      %swap3A_620 = arith.index_cast %swap3A_619 : i32 to index
      %swap3A_621 = arith.index_cast %scan3A_521 : i32 to index
      %swap3A_622 = arith.constant 96 : index
      %swap3A_623 = tpu.vector_load %arg8[%swap3A_620, %swap3A_621, %swap3A_622] {strides = array<i32>} : memref<2x128x128xf32, #tpu.memory_space<vmem>>, vector<1x1x16xf32>,
      %swap3A_624 = vector.shape_cast %swap3A_623 : vector<1x1x16xf32> to vector<16xf32>
      %swap3A_625 = vector.shape_cast %add3A_618 : vector<16xf32> to vector<1x1x16xf32>
      tpu.vector_store %arg8[%swap3A_620, %swap3A_621, %swap3A_622], %swap3A_625 {strides = array<i32>} : memref<2x128x128xf32, #tpu.memory_space<vmem>>, vector<1x1x16xf32>,
      %get3A_626 = arith.constant 1 : i32
      %get3A_627 = arith.index_cast %get3A_626 : i32 to index
      %get3A_628 = arith.index_cast %scan3A_521 : i32 to index
      %get3A_629 = arith.constant 112 : index
      %get3A_630 = tpu.vector_load %arg7[%get3A_627, %get3A_628, %get3A_629] {strides = array<i32>} : memref<2x128x128xf32, #tpu.memory_space<vmem>>, vector<1x1x16xf32>,
      %get3A_631 = vector.shape_cast %get3A_630 : vector<1x1x16xf32> to vector<16xf32>
      %mul3A_632 = arith.mulf %get3A_631, %add3A_208 : vector<16xf32>
      %add3A_633 = arith.addf %mul3A_632, %add3A_211 : vector<16xf32>
      %swap3A_634 = arith.constant 1 : i32
      %swap3A_635 = arith.index_cast %swap3A_634 : i32 to index
      %swap3A_636 = arith.index_cast %scan3A_521 : i32 to index
      %swap3A_637 = arith.constant 112 : index
      %swap3A_638 = tpu.vector_load %arg8[%swap3A_635, %swap3A_636, %swap3A_637] {strides = array<i32>} : memref<2x128x128xf32, #tpu.memory_space<vmem>>, vector<1x1x16xf32>,
      %swap3A_639 = vector.shape_cast %swap3A_638 : vector<1x1x16xf32> to vector<16xf32>
      %swap3A_640 = vector.shape_cast %add3A_633 : vector<16xf32> to vector<1x1x16xf32>
      tpu.vector_store %arg8[%swap3A_635, %swap3A_636, %swap3A_637], %swap3A_640 {strides = array<i32>} : memref<2x128x128xf32, #tpu.memory_space<vmem>>, vector<1x1x16xf32>,
    }
    %scan3A_466 = arith.constant 128 : i32
    %add3A_467 = arith.constant 384 : i32
    %add3A_468 = arith.addi %mul3A_2, %add3A_467 : i32
    %dma_start3A_469 = arith.constant 1 : i32
    %dma_start3A_470 = arith.constant 1 : i32
    %dma_start3A_471 = arith.constant 0 : i32
    %dma_start3A_472 = arith.constant 0 : i32
    %dma_start3A_473 = tpu.memref_slice %arg8[%dma_start3A_469, %dma_start3A_471, %dma_start3A_472] : memref<2x128x128xf32, #tpu.memory_space<vmem>> -> memref<1x128x128xf32, #tpu.memory_space<vmem>>
    %dma_start3A_474 = tpu.memref_squeeze %dma_start3A_473 : memref<1x128x128xf32, #tpu.memory_space<vmem>> -> memref<128x128xf32, #tpu.memory_space<vmem>>
    %dma_start3A_475 = arith.constant 0 : i32
    %dma_start3A_476 = tpu.memref_slice %arg6[%add3A_468, %dma_start3A_475] : memref<16384x128xf32, #tpu.memory_space<hbm>> -> memref<128x128xf32, #tpu.memory_space<hbm>>
    %dma_start3A_477 = tpu.memref_slice %arg13[%dma_start3A_470] : memref<2x!tpu.dma_semaphore, #tpu.memory_space<semaphore_mem>> -> memref<1x!tpu.dma_semaphore, #tpu.memory_space<semaphore_mem>>
    %dma_start3A_478 = tpu.memref_squeeze %dma_start3A_477 : memref<1x!tpu.dma_semaphore, #tpu.memory_space<semaphore_mem>> -> memref<!tpu.dma_semaphore, #tpu.memory_space<semaphore_mem>>
    %dma_start3A_479 = arith.constant 0 : i32
    %dma_start3A_480 = tpu.memref_slice %arg6[%add3A_468, %dma_start3A_479] : memref<16384x128xf32, #tpu.memory_space<hbm>> -> memref<128x128xf32, #tpu.memory_space<hbm>>
    %dma_start3A_481 = arith.constant 0 : i32
    %dma_start3A_482 = arith.constant 0 : i32
    %dma_start3A_483 = tpu.memref_slice %arg8[%dma_start3A_469, %dma_start3A_481, %dma_start3A_482] : memref<2x128x128xf32, #tpu.memory_space<vmem>> -> memref<1x128x128xf32, #tpu.memory_space<vmem>>
    %dma_start3A_484 = tpu.memref_squeeze %dma_start3A_483 : memref<1x128x128xf32, #tpu.memory_space<vmem>> -> memref<128x128xf32, #tpu.memory_space<vmem>>
    tpu.enqueue_dma source(%dma_start3A_484 : memref<128x128xf32, #tpu.memory_space<vmem>>) target(%dma_start3A_480 : memref<128x128xf32, #tpu.memory_space<hbm>>) target_semaphore(%dma_start3A_478 : memref<!tpu.dma_semaphore, #tpu.memory_space<semaphore_mem>>)
    %add3A_485 = arith.constant 256 : i32
    %add3A_486 = arith.addi %mul3A_2, %add3A_485 : i32
    %dma_wait3A_487 = arith.constant 0 : i32
    %dma_wait3A_488 = arith.constant 0 : i32
    %dma_wait3A_489 = arith.constant 0 : i32
    %dma_wait3A_490 = arith.constant 0 : i32
    %dma_wait3A_491 = tpu.memref_slice %arg8[%dma_wait3A_487, %dma_wait3A_489, %dma_wait3A_490] : memref<2x128x128xf32, #tpu.memory_space<vmem>> -> memref<1x128x128xf32, #tpu.memory_space<vmem>>
    %dma_wait3A_492 = tpu.memref_squeeze %dma_wait3A_491 : memref<1x128x128xf32, #tpu.memory_space<vmem>> -> memref<128x128xf32, #tpu.memory_space<vmem>>
    %dma_wait3A_493 = arith.constant 0 : i32
    %dma_wait3A_494 = tpu.memref_slice %arg6[%add3A_486, %dma_wait3A_493] : memref<16384x128xf32, #tpu.memory_space<hbm>> -> memref<128x128xf32, #tpu.memory_space<hbm>>
    %dma_wait3A_495 = tpu.memref_slice %arg13[%dma_wait3A_488] : memref<2x!tpu.dma_semaphore, #tpu.memory_space<semaphore_mem>> -> memref<1x!tpu.dma_semaphore, #tpu.memory_space<semaphore_mem>>
    %dma_wait3A_496 = tpu.memref_squeeze %dma_wait3A_495 : memref<1x!tpu.dma_semaphore, #tpu.memory_space<semaphore_mem>> -> memref<!tpu.dma_semaphore, #tpu.memory_space<semaphore_mem>>
    %dma_wait3A_497 = arith.constant 0 : i32
    %dma_wait3A_498 = tpu.memref_slice %arg6[%add3A_486, %dma_wait3A_497] : memref<16384x128xf32, #tpu.memory_space<hbm>> -> memref<128x128xf32, #tpu.memory_space<hbm>>
    %dma_wait3A_499 = arith.constant 0 : i32
    %dma_wait3A_500 = arith.constant 0 : i32
    %dma_wait3A_501 = tpu.memref_slice %arg8[%dma_wait3A_487, %dma_wait3A_499, %dma_wait3A_500] : memref<2x128x128xf32, #tpu.memory_space<vmem>> -> memref<1x128x128xf32, #tpu.memory_space<vmem>>
    %dma_wait3A_502 = tpu.memref_squeeze %dma_wait3A_501 : memref<1x128x128xf32, #tpu.memory_space<vmem>> -> memref<128x128xf32, #tpu.memory_space<vmem>>
    tpu.wait_dma2 semaphore(%dma_wait3A_496 : memref<!tpu.dma_semaphore, #tpu.memory_space<semaphore_mem>>) src(%dma_wait3A_502 : memref<128x128xf32, #tpu.memory_space<vmem>>) dst(%dma_wait3A_498 : memref<128x128xf32, #tpu.memory_space<hbm>>)
    %add3A_503 = arith.constant 384 : i32
    %add3A_504 = arith.addi %mul3A_2, %add3A_503 : i32
    %dma_wait3A_505 = arith.constant 1 : i32
    %dma_wait3A_506 = arith.constant 1 : i32
    %dma_wait3A_507 = arith.constant 0 : i32
    %dma_wait3A_508 = arith.constant 0 : i32
    %dma_wait3A_509 = tpu.memref_slice %arg8[%dma_wait3A_505, %dma_wait3A_507, %dma_wait3A_508] : memref<2x128x128xf32, #tpu.memory_space<vmem>> -> memref<1x128x128xf32, #tpu.memory_space<vmem>>
    %dma_wait3A_510 = tpu.memref_squeeze %dma_wait3A_509 : memref<1x128x128xf32, #tpu.memory_space<vmem>> -> memref<128x128xf32, #tpu.memory_space<vmem>>
    %dma_wait3A_511 = arith.constant 0 : i32
    %dma_wait3A_512 = tpu.memref_slice %arg6[%add3A_504, %dma_wait3A_511] : memref<16384x128xf32, #tpu.memory_space<hbm>> -> memref<128x128xf32, #tpu.memory_space<hbm>>
    %dma_wait3A_513 = tpu.memref_slice %arg13[%dma_wait3A_506] : memref<2x!tpu.dma_semaphore, #tpu.memory_space<semaphore_mem>> -> memref<1x!tpu.dma_semaphore, #tpu.memory_space<semaphore_mem>>
    %dma_wait3A_514 = tpu.memref_squeeze %dma_wait3A_513 : memref<1x!tpu.dma_semaphore, #tpu.memory_space<semaphore_mem>> -> memref<!tpu.dma_semaphore, #tpu.memory_space<semaphore_mem>>
    %dma_wait3A_515 = arith.constant 0 : i32
    %dma_wait3A_516 = tpu.memref_slice %arg6[%add3A_504, %dma_wait3A_515] : memref<16384x128xf32, #tpu.memory_space<hbm>> -> memref<128x128xf32, #tpu.memory_space<hbm>>
    %dma_wait3A_517 = arith.constant 0 : i32
    %dma_wait3A_518 = arith.constant 0 : i32
    %dma_wait3A_519 = tpu.memref_slice %arg8[%dma_wait3A_505, %dma_wait3A_517, %dma_wait3A_518] : memref<2x128x128xf32, #tpu.memory_space<vmem>> -> memref<1x128x128xf32, #tpu.memory_space<vmem>>
    %dma_wait3A_520 = tpu.memref_squeeze %dma_wait3A_519 : memref<1x128x128xf32, #tpu.memory_space<vmem>> -> memref<128x128xf32, #tpu.memory_space<vmem>>
    tpu.wait_dma2 semaphore(%dma_wait3A_514 : memref<!tpu.dma_semaphore, #tpu.memory_space<semaphore_mem>>) src(%dma_wait3A_520 : memref<128x128xf32, #tpu.memory_space<vmem>>) dst(%dma_wait3A_516 : memref<128x128xf32, #tpu.memory_space<hbm>>)
    return
  }
}

</mosaic_0001>

<sc_bundles>
// kernel: kernel.3.cloned.1.call-start
scs
__scs_entry_jumppad:
0x0: {  	(pc) =	sbr.rel $0x88, $3  }
0x1: {  	(tag) =	ssettag $0x0;
	lr =	simm.s32 $0x1  }
0x2: {  	[smem:$0x3F9D] =	sst lr;
	_ =	strace $0xD0000000  }
0x3: {  	_ = 	snop  }
0x4: {  	_ = 	snop  }
0x5: {  	_ = 	snop  }
0x6: {  	_ = 	snop  }
0x7: {  	_ = 	snop  }
__scs_overlays_trampoline_lowered:
0x8: {  	[smem:$0x3FAC] =	sst s0  }
0x9: {  	[smem:$0x3FAD] =	sst s1  }
0xa: {  	[smem:$0x3FAE] =	sst s2  }
0xb: {  	[smem:$0x3FAF] =	sst s3  }
0xc: {  	[smem:$0x3FB0] =	sst s4  }
0xd: {  	[smem:$0x3FB1] =	sst s5  }
0xe: {  	[smem:$0x3FB2] =	sst s6  }
0xf: {  	[smem:$0x3FB3] =	sst s7  }
0x10: {  	[smem:$0x3FB4] =	sst s8  }
0x11: {  	[smem:$0x3FB5] =	sst s9;
	s0 =	simm.s32 @!p0 $0x0  }
0x12: {  	s1 =	sld [smem:$0x3F9B];
	s0 =	simm.s32 @p0 $0x1  }
0x13: {  	[smem:$0x3FB6] =	sst s0;
	s0 =	simm.s32 @!p1 $0x0  }
0x14: {  	s2 =	sld [smem:$0x3F9A];
	s0 =	simm.s32 @p1 $0x1  }
0x15: {  	[smem:$0x3FB7] =	sst s0;
	s0 =	simm.s32 @!p2 $0x0  }
0x16: {  	s3 =	sld [smem:$0x3FDB];
	s0 =	simm.s32 @p2 $0x1  }
0x17: {  	s4 =	simm.s32 $0x1BF5;
	[smem:$0x3FB9] =	sst s0  }
0x18: {  	s0 =	sld [smem:$0x3F9C];
	_ =	swait.ge [sflag:s4], $0x0  }
0x19: {  	s7 =	sld [smem:$0x3F9D]  }
0x1a: {  	s8 =	sadd.s32 $0xFFFFE003, lr  }
0x1b: {  	s9 =	sadd.s32 $0xFFFFFEF7, lr;
	s5 =	simm.s32 $0xFFFFFFFF;
	p2 =	slt.u32 s8, $0xFFFFF086  }
0x1c: {  	p1 =	slt.u32 s9, $0xF7A;
	s5 =	simm.s32 @!p2 $0x0  }
0x1d: {  	s5 =	simm.s32 @p1 $0x1;
	p0 =	seq.s32 s7, s2  }
0x1e: {  	s7 =	smul.u32 @!p0 $0xF7A, s2;
	p2 =	seq.s32 @!p0 s5, $0x0  }
0x1f: {  	s9 =	smul.u32 $0xF7A, s1;
	s8 =	simm.s32 @!p0 $0x1BF5;
	p2 =	por !p2, p0  }
0x20: {  	[sflag:s8] =	ssyncset.s32 @!p0 $0xFFFFF086;
	s6 =	sadd.s32 @!p0 s3, s7;
	s7 =	simm.s32 @!p0 $0x108  }
0x21: {  	s3 =	sadd.s32 s3, s9;
	s6 =	sadd.s32 @!p0 $0x88, s6;
	s7 =	simm.s32 @p2 $0x1082  }
0x22: {  	[simem:s7], [sflag:s8] =	dma.local @!p0 [hbm:s6], $0xF7A  }
0x23: {  	s9 =	sor.u32 $0xD0000000, s2;
	s6 =	simm.s32 $0x108;
	_ =	swait.ge @!p0 [sflag:s8], $0x0  }
0x24: {  	s3 =	sadd.s32 $0x88, s3;
	s6 =	simm.s32 @!p1 $0x1082;
	[sflag:s4] =	ssyncset.s32 $0xFFFFF086  }
0x25: {  	[simem:s6], [sflag:s4] =	dma.local [hbm:s3], $0xF7A  }
0x26: {  	[smem:$0x3F9D] =	sst s1;
	(tag) =	ssettag s2;
	_ =	strace s9  }
0x27: {  	s1 =	sld [smem:$0x3FAD]  }
0x28: {  	s2 =	sld [smem:$0x3FAE]  }
0x29: {  	s4 =	sld [smem:$0x3FB0]  }
0x2a: {  	p0 =	seq.s32 s5, $0x0;
	s5 =	sld [smem:$0x3FB1]  }
0x2b: {  	s6 =	sld [smem:$0x3FB2]  }
0x2c: {  	s7 =	sld [smem:$0x3FB3]  }
0x2d: {  	s3 =	simm.s32 $0x108;
	s8 =	sld [smem:$0x3FB4]  }
0x2e: {  	s3 =	simm.s32 @!p0 $0x1082;
	s9 =	sld [smem:$0x3FB5]  }
0x2f: {  	lr =	sadd.s32 s0, s3;
	s0 =	sld [smem:$0x3FAC]  }
0x30: {  	s3 =	sld [smem:$0x3FAF]  }
0x31: {  	[smem:$0x3FB8] =	sst s10  }
0x32: {  	s10 =	sld [smem:$0x3FB6];
	_ =	sdelay $0x3  }
0x33: {  	p0 =	seq.s32 s10, $0x1;
	s10 =	sld [smem:$0x3FB8];
	_ =	sdelay $0x3  }
0x34: {  	[smem:$0x3FB8] =	sst s10  }
0x35: {  	s10 =	sld [smem:$0x3FB7];
	_ =	sdelay $0x3  }
0x36: {  	p1 =	seq.s32 s10, $0x1;
	s10 =	sld [smem:$0x3FB8];
	_ =	sdelay $0x3  }
0x37: {  	[smem:$0x3FB8] =	sst s10  }
0x38: {  	s10 =	sld [smem:$0x3FB9]  }
0x39: {  	_ = 	snop;
	(pc) =	sbr.ind lr, $3  }
0x3a: {  	_ = 	snop  }
0x3b: {  	_ = 	snop  }
0x3c: {  	p2 =	seq.s32 s10, $0x1;
	s10 =	sld [smem:$0x3FB8]  }
0x3d: {  	_ =	shalt  }
0x3e: {  	_ =	shalt  }
0x3f: {  	_ =	shalt  }
0x40: {  	_ =	shalt  }
0x41: {  	_ =	shalt  }
0x42: {  	_ =	shalt  }
0x43: {  	_ =	shalt  }
0x44: {  	_ =	shalt  }
0x45: {  	_ =	shalt  }
0x46: {  	_ =	shalt  }
0x47: {  	_ =	shalt  }
0x48: {  	_ =	shalt  }
0x49: {  	_ =	shalt  }
0x4a: {  	_ =	shalt  }
0x4b: {  	_ =	shalt  }
0x4c: {  	_ =	shalt  }
0x4d: {  	_ =	shalt  }
0x4e: {  	_ =	shalt  }
0x4f: {  	_ =	shalt  }
0x50: {  	_ =	shalt  }
0x51: {  	_ =	shalt  }
0x52: {  	_ =	shalt  }
0x53: {  	_ =	shalt  }
0x54: {  	_ =	shalt  }
0x55: {  	_ =	shalt  }
0x56: {  	_ =	shalt  }
0x57: {  	_ =	shalt  }
0x58: {  	_ =	shalt  }
0x59: {  	_ =	shalt  }
0x5a: {  	_ =	shalt  }
0x5b: {  	_ =	shalt  }
0x5c: {  	_ =	shalt  }
0x5d: {  	_ =	shalt  }
0x5e: {  	_ =	shalt  }
0x5f: {  	_ =	shalt  }
0x60: {  	_ =	shalt  }
0x61: {  	_ =	shalt  }
0x62: {  	_ =	shalt  }
0x63: {  	_ =	shalt  }
0x64: {  	_ =	shalt  }
0x65: {  	_ =	shalt  }
0x66: {  	_ =	shalt  }
0x67: {  	_ =	shalt  }
0x68: {  	_ =	shalt  }
0x69: {  	_ =	shalt  }
0x6a: {  	_ =	shalt  }
0x6b: {  	_ =	shalt  }
0x6c: {  	_ =	shalt  }
0x6d: {  	_ =	shalt  }
0x6e: {  	_ =	shalt  }
0x6f: {  	_ =	shalt  }
0x70: {  	_ =	shalt  }
0x71: {  	_ =	shalt  }
0x72: {  	_ =	shalt  }
0x73: {  	_ =	shalt  }
0x74: {  	_ =	shalt  }
0x75: {  	_ =	shalt  }
0x76: {  	_ =	shalt  }
0x77: {  	_ =	shalt  }
0x78: {  	_ =	shalt  }
0x79: {  	_ =	shalt  }
0x7a: {  	_ =	shalt  }
0x7b: {  	_ =	shalt  }
0x7c: {  	_ =	shalt  }
0x7d: {  	_ =	shalt  }
0x7e: {  	_ =	shalt  }
0x7f: {  	_ =	shalt  }
0x80: {  	_ =	shalt  }
0x81: {  	_ =	shalt  }
0x82: {  	_ =	shalt  }
0x83: {  	_ =	shalt  }
0x84: {  	_ =	shalt  }
0x85: {  	_ =	shalt  }
0x86: {  	_ =	shalt  }
0x87: {  	_ =	shalt  }
.Lfunc_end0:
.L_simem_size_0:
called_computation_lowered:
.L_overlay_start_0:
0x88: {  	s2 =	sld [smem:$0x3FD9]  }
0x89: {  	s3 =	sld [smem:$0x3FFE];
	_ =	sdelay $0x1  }
0x8a: {  	s1 =	srdreg.scid  }
0x8b: {  	s0 =	sand.u32 $0x1, s1  }
0x8c: {  	s17 =	sshll.u32 s0, $0xA;
	s2 =	sadd.s32 s3, s2  }
0x8d: {  	s2 =	sadd.s32 s2, s17  }
0x8e: {  	[smem:$0x3FC4] =	sst s2  }
0x8f: {  	_ = 	snop  }
0x90: {  	s2 =	sld [smem:$0x3FC9]  }
0x91: {  	s18 =	sld [smem:$0x3FC8]  }
0x92: {  	s4 =	sld [smem:$0x3FC7]  }
0x93: {  	s5 =	sld [smem:$0x3FD0];
	(tm) =	ssettm $0x1  }
0x94: {  	s6 =	sld [smem:$0x3FFB];
	_ =	sdelay $0x3  }
0x95: {  	_ =	strace s6  }
0x96: {  	s6 =	sld [smem:$0x3FFC];
	_ =	sdelay $0x3  }
0x97: {  	_ =	strace s6  }
0x98: {  	s6 =	sld [smem:$0x3FFD];
	_ =	sdelay $0x3  }
0x99: {  	_ =	strace s6  }
0x9a: {  	_ =	strace $0x8FFFFFFF  }
0x9b: {  	s19 =	sld [smem:$0x3FDB];
	_ =	sdelay $0x1  }
0x9c: {  	s7 =	simm.s32 $_scs_section_size  }
0x9d: {  	s8 =	simm.s32 $_size__tile_overlayer_lowered;
	s9 =	simm.s32 $_tile_overlayer_lowered  }
0x9e: {  	s22 =	simm.s32 $0x1BFF;
	s21 =	sshll.u32 s9, $0x1;
	s6 =	sadd.s32 s7, s19  }
0x9f: {  	s10 =	simm.s32 $0x0;
	s20 =	sshll.u32 s8, $0x1;
	s8 =	sadd.s32 s21, s6  }
0xa0: {  	[timem:s10], [sflag:s22] =	dma.local [hbm:s8], s20  }
0xa1: {  	_ =	swait.ge [sflag:s22], s20  }
0xa2: {  	s7 =	ssub.s32 $0x0, s20;
	[sflag:s22] =	ssyncset.done $0x0  }
0xa3: {  	[sflag:s22] =	ssyncadd.s32 s7;
	_ =	sdelay $0x1  }
0xa4: {  	s23 =	simm.s32 $0x1B8B  }
0xa5: {  	_ =	swait.ge [sflag:s23], $0x1  }
0xa6: {  	[sflag:s23] =	ssyncset.done $0x0  }
0xa7: {  	s25 =	simm.s32 $0x1B8E;
	s24 =	sld [smem:$0x3FFE];
	[sflag:s23] =	ssyncadd.s32 $0xFFFFFFFF  }
0xa8: {  	s26 =	simm.s32 $execute0_lowered;
	[smem:$0x3FD2] =	sst s25  }
0xa9: {  	s8 =	sshll.u32 s26, $0x1;
	_ =	strace $0x80000046;
	[dreg:$0x1] =	wrdreg $0xFFFFFFFF  }
0xaa: {  	s28 =	simm.s32 $_size_execute0_lowered;
	s6 =	sadd.s32 s6, s8;
	[dreg:$0x0] =	wrdreg $0x0  }
0xab: {  	s8 =	sshll.u32 s28, $0x1;
	[dreg:$0x2] =	wrdreg s6  }
0xac: {  	[dreg:$0x3] =	wrdreg s8  }
0xad: {  	[dreg:$0x4] =	wrdreg $0xC0  }
0xae: {  	_ =	task [dreg:s10], $0x5FFFF  }
0xaf: {  	[dreg:$0x1] =	wrdreg $0xFFFFFFFF  }
0xb0: {  	[dreg:$0x0] =	wrdreg $0x60  }
0xb1: {  	[dreg:$0x2] =	wrdreg s2  }
0xb2: {  	[dreg:$0x3] =	wrdreg s18  }
0xb3: {  	[dreg:$0x4] =	wrdreg s4  }
0xb4: {  	[dreg:$0x5] =	wrdreg s24  }
0xb5: {  	[dreg:$0x6] =	wrdreg s5  }
0xb6: {  	[dreg:$0x7] =	wrdreg $0x9  }
0xb7: {  	_ =	task.clear_ibuf [dreg:s10], $0x8FFFF;
	_ =	strace $0x90000046  }
0xb8: {  	s29 =	simm.s32 $0x9;
	_ =	strace $0x80000048  }
0xb9: {  	_ =	swait.ge [sflag:s29], $0x1  }
0xba: {  	[sflag:s29] =	ssyncadd.s32 $0xFFFFFFFF  }
0xbb: {  	_ =	strace $0x90000048  }
0xbc: {  	_ =	sfence  }
0xbd: {  	s30 =	sld [smem:$0x0];
	_ =	sdelay $0x2  }
0xbe: {  	s31 =	sshll.u32 s1, $0xD;
	s1 =	sshrl.u32 s1, $0x2  }
0xbf: {  	s3 =	sand.u32 $0x4000, s31;
	s1 =	sadd.s32 s1, s30  }
0xc0: {  	s0 =	sor.u32 s3, s0;
	s1 =	sshll.u32 s1, $0x11  }
0xc1: {  	s0 =	sor.u32 s1, s0  }
0xc2: {  	s0 =	sadd.s32 $0x8F2B, s0  }
0xc3: {  	[sflag:s0] =	ssyncadd.remote.s32 $0x1  }
0xc4: {  	_ =	sfence.sel $0xFFFF  }
0xc5: {  	[dreg:$0x0] =	wrdreg $0xFFFFFFFF;
	(pc) =	sbr.abs _section_cstart, $3  }
0xc6: {  	[dreg:$0x1] =	wrdreg $0xFFFFFFFF  }
0xc7: {  	_ =	task.clear_ibuf [dreg:s10], $0x2FFFF;
	_ =	strace $0x9FFFFFFF  }
0xc8: {  	(tm) =	ssettm $0x7FFFFFFF  }
0xc9: {  	_ =	shalt  }
tec
execute0_lowered:
.L_overlay_start_1:
0x0: {  	(tag) =	ssettag $0x1  }
0x1: {  	s11 =	rddreg [dreg:$0x0]  }
0x2: {  	s1 =	rddreg [dreg:$0x1]  }
0x3: {  	s2 =	rddreg [dreg:$0x2]  }
0x4: {  	s5 =	rddreg [dreg:$0x3]  }
0x5: {  	s13 =	rddreg [dreg:$0x4]  }
0x6: {  	s0 =	rddreg [dreg:$0x5];
	s6 =	srdreg.scid  }
0x7: {  	s4 =	simm.s32 $0x0;
	s3 =	stileid.u32;
	s16 =	simm.s32 $0x5  }
0x8: {  	s17 =	simm.s32 $0x10100;
	s18 =	simm.s32 $0x10200;
	s19 =	simm.s32 $0x4000  }
0x9: {  	s20 =	simm.s32 $0x1;
	s21 =	simm.s32 $0x8000;
	s22 =	simm.s32 $0x2  }
0xa: {  	s23 =	simm.s32 $0xC000;
	s24 =	simm.s32 $0x3;
	s25 =	simm.s32 $0x4  }
0xb: {  	s26 =	simm.s32 $0x0;
	s6 =	sand.u32 $0x1, s6;
	[smem:$0x7FF] =	sst s4  }
0xc: {  	s7 =	sshll.u32 s3, $0xE;
	s8 =	sshll.u32 s6, $0xD;
	s6 =	ssub.s32 $0x2, s6  }
0xd: {  	s5 =	sadd.s32 $0x400, s5;
	s9 =	sor.u32 s8, s7;
	s31 =	sshrl.u32 s6, $0x1  }
0xe: {  	_ =	strace $0x80000047;
	s10 =	sor.u32 $0x800, s9;
	s14 =	ssub.s32 s6, s31  }
0xf: {  	s6 =	sadd.s32 s11, s9;
	s8 =	sadd.s32 s13, s9;
	s12 =	sor.u32 $0x1000, s9  }
0x10: {  	s15 =	sor.u32 $0x1800, s9;
	s7 =	sadd.s32 s11, s10;
	s9 =	sadd.s32 s11, s12  }
0x11: {  	s10 =	sadd.s32 s13, s10;
	s11 =	sadd.s32 s11, s15;
	s12 =	sadd.s32 s13, s12  }
0x12: {  	s13 =	sadd.s32 s13, s15;
	s14 =	smax.u32 s14, $0x1;
	s15 =	simm.s32 $0x10000  }
.LBB2_1:
0x13: {  	[tilespmem:s15], [sflag:$0x5] =	stream.linear.gather [hbm4b:s1+s4], $0x100, $0x38;
	[tilespmem:$0x10280] =	vst v63  }
0x14: {  	_ =	swait.ge [sflag:s16], $0x100  }
0x15: {  	[sflag:s16] =	ssyncset.done $0x0  }
0x16: {  	[sflag:s16] =	ssyncadd.s32 $0xFFFFFF00  }
0x17: {  	[tilespmem:s17], [sflag:$0x5] =	stream.linear.gather [hbm4b:s2+s4], $0x100, $0x38;
	[tilespmem:$0x10280] =	vst v63  }
0x18: {  	_ =	swait.ge [sflag:s16], $0x100  }
0x19: {  	[sflag:s16] =	ssyncset.done $0x0  }
0x1a: {  	[sflag:s16] =	ssyncadd.s32 $0xFFFFFF00  }
0x1b: {  	[tilespmem:s18], [sflag:$0x5] =	stream.linear.gather [hbm4b:s5+s4], $0x80, $0x38;
	[tilespmem:$0x10280] =	vst v63  }
0x1c: {  	_ =	swait.ge [sflag:s16], $0x80  }
0x1d: {  	[sflag:s16] =	ssyncset.done $0x0  }
0x1e: {  	[sflag:s16] =	ssyncadd.s32 $0xFFFFFF80  }
0x1f: {  	v14 =	vld [tilespmem:$0x10200]  }
0x20: {  	v0 =	vld [tilespmem:$0x10000]  }
0x21: {  	v1 =	vld [tilespmem:$0x10080]  }
0x22: {  	v2 =	vld [tilespmem:$0x10100]  }
0x23: {  	v3 =	vld [tilespmem:$0x10180]  }
0x24: {  	v4 =	vld [tilespmem:$0x10010]  }
0x25: {  	v5 =	vld [tilespmem:$0x10090]  }
0x26: {  	v7 =	vld [tilespmem:$0x10110]  }
0x27: {  	v6 =	vld [tilespmem:$0x10190]  }
0x28: {  	v8 =	vld [tilespmem:$0x10020]  }
0x29: {  	v9 =	vld [tilespmem:$0x100A0]  }
0x2a: {  	v10 =	vld [tilespmem:$0x10120]  }
0x2b: {  	v11 =	vld [tilespmem:$0x101A0]  }
0x2c: {  	v12 =	vld [tilespmem:$0x10030]  }
0x2d: {  	v13 =	vld [tilespmem:$0x100B0]  }
0x2e: {  	v15 =	vld [tilespmem:$0x10130]  }
0x2f: {  	v16 =	vld [tilespmem:$0x101B0]  }
0x30: {  	v17 =	vld [tilespmem:$0x10040]  }
0x31: {  	v18 =	vld [tilespmem:$0x100C0]  }
0x32: {  	v19 =	vld [tilespmem:$0x10140]  }
0x33: {  	v20 =	vld [tilespmem:$0x101C0]  }
0x34: {  	v21 =	vld [tilespmem:$0x10050]  }
0x35: {  	v22 =	vld [tilespmem:$0x100D0]  }
0x36: {  	v23 =	vld [tilespmem:$0x10150]  }
0x37: {  	v24 =	vld [tilespmem:$0x101D0]  }
0x38: {  	v25 =	vld [tilespmem:$0x10060]  }
0x39: {  	v26 =	vld [tilespmem:$0x100E0]  }
0x3a: {  	v27 =	vld [tilespmem:$0x10160]  }
0x3b: {  	v28 =	vld [tilespmem:$0x101E0]  }
0x3c: {  	v29 =	vld [tilespmem:$0x10070]  }
0x3d: {  	v30 =	vld [tilespmem:$0x100F0]  }
0x3e: {  	v31 =	vld [tilespmem:$0x10170]  }
0x3f: {  	v32 =	vld [tilespmem:$0x101F0];
	[tilespmem:s4], [sflag:$0x1] =	stream.linear.gather [hbm4b:s6+s4], $0x4000, $0x38  }
0x40: {  	v1 =	vsub.f32 v1, v0  }
0x41: {  	[tilespmem:s19], [sflag:$0x2] =	stream.linear.gather [hbm4b:s7+s4], $0x4000, $0x38;
	v3 =	vsub.f32 v3, v2;
	[tilespmem:$0x10280] =	vst v63  }
0x42: {  	_ =	swait.ge [sflag:s20], $0x4000;
	v1 =	vmul.f32 v1, v14  }
0x43: {  	[sflag:s20] =	ssyncset.done $0x0;
	v5 =	vsub.f32 v5, v4;
	v3 =	vmul.f32 v3, v14  }
0x44: {  	s29 =	simm.s32 $0x0;
	[sflag:s20] =	ssyncadd.s32 $0xFFFFC000;
	v30 =	vsub.f32 v30, v29;
	v1 =	vadd.f32 v1, v0  }
0x45: {  	v33 =	vld [tilespmem:s29+$0x70];
	v0 =	vadd.f32 v3, v2;
	v2 =	vmul.f32 v5, v14;
	v3 =	vsub.f32 v6, v7  }
0x46: {  	v5 =	vsub.f32 v9, v8;
	v6 =	vmul.f32 v30, v14;
	v9 =	vsub.f32 v32, v31  }
0x47: {  	v2 =	vadd.f32 v2, v4;
	v3 =	vmul.f32 v3, v14;
	v4 =	vsub.f32 v11, v10  }
0x48: {  	v5 =	vmul.f32 v5, v14;
	v6 =	vadd.f32 v6, v29;
	v9 =	vmul.f32 v9, v14  }
0x49: {  	v34 =	vld [tilespmem:s29+$0x0];
	v11 =	vsub.f32 v13, v12;
	v3 =	vadd.f32 v3, v7;
	v4 =	vmul.f32 v4, v14  }
0x4a: {  	v58 =	vld [tilespmem:s29+$0x10];
	v5 =	vadd.f32 v5, v8;
	v7 =	vadd.f32 v9, v31;
	v8 =	vmul.f32 v33, v6  }
0x4b: {  	v59 =	vld [tilespmem:s29+$0x20];
	v9 =	vmul.f32 v11, v14;
	v4 =	vadd.f32 v4, v10;
	v10 =	vsub.f32 v16, v15  }
0x4c: {  	v60 =	vld [tilespmem:s29+$0x30];
	v11 =	vsub.f32 v18, v17  }
0x4d: {  	v61 =	vld [tilespmem:s29+$0x50];
	v18 =	vadd.f32 v8, v7;
	v8 =	vadd.f32 v9, v12;
	v9 =	vmul.f32 v10, v14  }
0x4e: {  	s28 =	simm.s32 $0x80;
	v62 =	vld [tilespmem:s29+$0x60];
	v16 =	vmul.f32 v34, v1;
	v11 =	vmul.f32 v11, v14;
	v10 =	vsub.f32 v20, v19  }
0x4f: {  	v63 =	vld [tilespmem:s28+$0x70];
	v12 =	vmul.f32 v58, v2;
	v9 =	vadd.f32 v9, v15;
	v15 =	vsub.f32 v22, v21  }
0x50: {  	v13 =	vld [tilespmem:s29+$0x40];
	v16 =	vadd.f32 v16, v0;
	v11 =	vadd.f32 v11, v17;
	v10 =	vmul.f32 v10, v14  }
0x51: {  	v20 =	vld [tilespmem:s28+$0x0];
	[tilespmem:s29+$0x8070] =	vst v18;
	v12 =	vadd.f32 v12, v3;
	v18 =	vsub.f32 v24, v23;
	v15 =	vmul.f32 v15, v14  }
0x52: {  	v22 =	vld [tilespmem:s28+$0x10];
	[tilespmem:s29+$0x8000] =	vst v16;
	v10 =	vadd.f32 v10, v19;
	v19 =	vsub.f32 v26, v25  }
0x53: {  	v17 =	vmul.f32 v59, v5;
	v24 =	vmul.f32 v60, v8;
	v16 =	vld [tilespmem:s28+$0x20];
	[tilespmem:s29+$0x8010] =	vst v12;
	v12 =	vadd.f32 v15, v21  }
0x54: {  	v15 =	vmul.f32 v18, v14;
	v18 =	vsub.f32 v28, v27;
	v19 =	vmul.f32 v19, v14  }
0x55: {  	v26 =	vadd.f32 v17, v4;
	v24 =	vadd.f32 v24, v9;
	v21 =	vmul.f32 v13, v11  }
0x56: {  	v13 =	vadd.f32 v15, v23;
	v15 =	vmul.f32 v18, v14;
	v14 =	vadd.f32 v19, v25  }
0x57: {  	v17 =	vld [tilespmem:s28+$0x30];
	[tilespmem:s29+$0x8020] =	vst v26;
	v23 =	vmul.f32 v61, v12  }
0x58: {  	v18 =	vld [tilespmem:s28+$0x40];
	[tilespmem:s29+$0x8030] =	vst v24;
	v21 =	vadd.f32 v21, v10;
	v15 =	vadd.f32 v15, v27;
	v24 =	vmul.f32 v62, v14  }
0x59: {  	v25 =	vmul.f32 v63, v6;
	v26 =	vadd.f32 v23, v13  }
0x5a: {  	v19 =	vld [tilespmem:s28+$0x50];
	[tilespmem:s29+$0x8040] =	vst v21;
	v21 =	vmul.f32 v20, v1;
	v23 =	vadd.f32 v24, v15  }
0x5b: {  	s30 =	simm.s32 $0x100;
	s31 =	simm.s32 $0x600;
	v22 =	vmul.f32 v22, v2;
	v20 =	vld [tilespmem:s28+$0x60];
	v24 =	vadd.f32 v25, v7;
	[tilespmem:s29+$0x8050] =	vst v26  }
.LBB2_2:
0x5c: {  	p0 =	sne.s32 s31, $0xFE00;
	v25 =	vld [tilespmem:s30+$0x70];
	v21 =	vadd.f32 v21, v0;
	v16 =	vmul.f32 v16, v5;
	[tilespmem:s29+$0x8060] =	vst v23;
	s29 =	smov.u32 s28;
	s28 =	smov.u32 s30  }
0x5d: {  	v23 =	vld [tilespmem:s28+$0x0];
	v22 =	vadd.f32 v22, v3;
	v17 =	vmul.f32 v17, v8;
	[tilespmem:s29+$0x8070] =	vst v24  }
0x5e: {  	v24 =	vld [tilespmem:s28+$0x10];
	[tilespmem:s29+$0x8000] =	vst v21;
	v21 =	vadd.f32 v16, v4;
	v18 =	vmul.f32 v18, v11  }
.Ltmp0:
0x5f: {  	v16 =	vld [tilespmem:s28+$0x20];
	[tilespmem:s29+$0x8010] =	vst v22;
	v22 =	vadd.f32 v17, v9;
	v19 =	vmul.f32 v19, v12;
	(pc) =	sbr.rel @p0 .LBB2_2-.Ltmp0, $4  }
0x60: {  	v17 =	vld [tilespmem:s28+$0x30];
	[tilespmem:s29+$0x8020] =	vst v21;
	v26 =	vadd.f32 v18, v10;
	v20 =	vmul.f32 v20, v14  }
0x61: {  	v18 =	vld [tilespmem:s28+$0x40];
	v25 =	vmul.f32 v25, v6;
	[tilespmem:s29+$0x8030] =	vst v22;
	v27 =	vadd.f32 v19, v13  }
0x62: {  	v21 =	vmul.f32 v23, v1;
	v19 =	vld [tilespmem:s28+$0x50];
	[tilespmem:s29+$0x8040] =	vst v26;
	v23 =	vadd.f32 v20, v15  }
0x63: {  	s30 =	sshra.s32 s31, $0x2;
	s31 =	sadd.s32 $0x200, s31;
	v22 =	vmul.f32 v24, v2;
	v20 =	vld [tilespmem:s28+$0x60];
	v24 =	vadd.f32 v25, v7;
	[tilespmem:s29+$0x8050] =	vst v27  }
0x64: {  	v25 =	vld [tilespmem:s30+$0x70];
	[tilespmem:s29+$0x8060] =	vst v23;
	v21 =	vadd.f32 v21, v0;
	v16 =	vmul.f32 v16, v5  }
0x65: {  	v23 =	vld [tilespmem:s30+$0x0];
	[tilespmem:s28+$0x8070] =	vst v24;
	v22 =	vadd.f32 v22, v3;
	v17 =	vmul.f32 v17, v8  }
0x66: {  	v24 =	vld [tilespmem:s30+$0x10];
	[tilespmem:s28+$0x8000] =	vst v21;
	v16 =	vadd.f32 v16, v4  }
0x67: {  	v18 =	vmul.f32 v18, v11;
	v21 =	vld [tilespmem:s30+$0x20];
	[tilespmem:s28+$0x8010] =	vst v22;
	v17 =	vadd.f32 v17, v9  }
0x68: {  	v19 =	vmul.f32 v19, v12;
	v22 =	vld [tilespmem:s30+$0x30];
	[tilespmem:s28+$0x8020] =	vst v16  }
0x69: {  	v18 =	vadd.f32 v18, v10;
	v16 =	vld [tilespmem:s30+$0x40];
	[tilespmem:s28+$0x8030] =	vst v17;
	v17 =	vmul.f32 v20, v14  }
0x6a: {  	v25 =	vmul.f32 v25, v6;
	v19 =	vadd.f32 v19, v13  }
0x6b: {  	v20 =	vld [tilespmem:s30+$0x50];
	[tilespmem:s28+$0x8040] =	vst v18;
	v18 =	vmul.f32 v23, v1;
	v17 =	vadd.f32 v17, v15  }
0x6c: {  	v23 =	vld [tilespmem:s30+$0x60];
	v24 =	vmul.f32 v24, v2;
	v25 =	vadd.f32 v25, v7;
	[tilespmem:s28+$0x8050] =	vst v19  }
0x6d: {  	v18 =	vadd.f32 v18, v0;
	v19 =	vmul.f32 v21, v5;
	[tilespmem:s28+$0x8060] =	vst v17  }
0x6e: {  	v17 =	vadd.f32 v24, v3;
	v21 =	vmul.f32 v22, v8;
	[tilespmem:s30+$0x8070] =	vst v25  }
0x6f: {  	[tilespmem:s30+$0x8000] =	vst v18;
	v18 =	vadd.f32 v19, v4;
	v16 =	vmul.f32 v16, v11  }
0x70: {  	[tilespmem:s30+$0x8010] =	vst v17;
	v17 =	vadd.f32 v21, v9;
	v19 =	vmul.f32 v20, v12  }
0x71: {  	[tilespmem:s30+$0x8020] =	vst v18;
	v16 =	vadd.f32 v16, v10;
	v18 =	vmul.f32 v23, v14  }
0x72: {  	[tilespmem:s30+$0x8030] =	vst v17;
	v17 =	vadd.f32 v19, v13  }
0x73: {  	[tilespmem:s30+$0x8040] =	vst v16;
	v16 =	vadd.f32 v18, v15  }
0x74: {  	[tilespmem:s30+$0x8050] =	vst v17  }
0x75: {  	s28 =	simm.s32 $0x0;
	[tilespmem:s30+$0x8060] =	vst v16  }
0x76: {  	[hbm4b:s8+s28] =	stream.linear.scatter [tilespmem:s21], [sflag:$0x3], $0x4000, $0x38;
	[tilespmem:$0x10280] =	vst v63  }
0x77: {  	_ = 	snop  }
0x78: {  	[tilespmem:s28], [sflag:$0x1] =	stream.linear.gather [hbm4b:s9+s28], $0x4000, $0x38;
	[tilespmem:$0x10280] =	vst v63  }
0x79: {  	_ =	swait.ge [sflag:s22], $0x4000  }
0x7a: {  	[sflag:s22] =	ssyncset.done $0x0  }
0x7b: {  	s29 =	simm.s32 $0x0;
	[sflag:s22] =	ssyncadd.s32 $0xFFFFC000  }
0x7c: {  	v16 =	vld [tilespmem:s29+$0x4070]  }
0x7d: {  	v17 =	vld [tilespmem:s29+$0x4000]  }
0x7e: {  	v18 =	vld [tilespmem:s29+$0x4010]  }
0x7f: {  	v19 =	vld [tilespmem:s29+$0x4020]  }
0x80: {  	v20 =	vld [tilespmem:s29+$0x4030]  }
0x81: {  	v21 =	vld [tilespmem:s29+$0x4040];
	v16 =	vmul.f32 v16, v6  }
0x82: {  	v22 =	vld [tilespmem:s29+$0x4050];
	v17 =	vmul.f32 v17, v1  }
0x83: {  	s28 =	simm.s32 $0x80;
	v23 =	vld [tilespmem:s29+$0x4060];
	v18 =	vmul.f32 v18, v2;
	v16 =	vadd.f32 v16, v7  }
0x84: {  	v24 =	vld [tilespmem:s28+$0x4070];
	v17 =	vadd.f32 v17, v0  }
0x85: {  	v25 =	vld [tilespmem:s28+$0x4000];
	v18 =	vadd.f32 v18, v3;
	[tilespmem:s29+$0xC070] =	vst v16;
	v16 =	vmul.f32 v19, v5  }
0x86: {  	v20 =	vmul.f32 v20, v8;
	v26 =	vld [tilespmem:s28+$0x4010];
	[tilespmem:s29+$0xC000] =	vst v17  }
0x87: {  	v19 =	vld [tilespmem:s28+$0x4020];
	v16 =	vadd.f32 v16, v4;
	[tilespmem:s29+$0xC010] =	vst v18;
	v18 =	vmul.f32 v21, v11  }
0x88: {  	v20 =	vadd.f32 v20, v9;
	v21 =	vmul.f32 v22, v12  }
0x89: {  	v23 =	vmul.f32 v23, v14;
	v17 =	vld [tilespmem:s28+$0x4030];
	[tilespmem:s29+$0xC020] =	vst v16;
	v22 =	vadd.f32 v18, v10  }
0x8a: {  	v24 =	vmul.f32 v24, v6;
	v27 =	vadd.f32 v21, v13;
	v16 =	vld [tilespmem:s28+$0x4040];
	[tilespmem:s29+$0xC030] =	vst v20  }
0x8b: {  	v23 =	vadd.f32 v23, v15;
	v21 =	vmul.f32 v25, v1;
	v18 =	vld [tilespmem:s28+$0x4050];
	[tilespmem:s29+$0xC040] =	vst v22  }
0x8c: {  	s31 =	simm.s32 $0x600;
	s30 =	simm.s32 $0x100;
	v24 =	vadd.f32 v24, v7;
	v22 =	vmul.f32 v26, v2;
	v20 =	vld [tilespmem:s28+$0x4060];
	[tilespmem:s29+$0xC050] =	vst v27  }
.LBB2_4:
0x8d: {  	p0 =	sne.s32 s31, $0xFE00;
	v25 =	vld [tilespmem:s30+$0x4070];
	v21 =	vadd.f32 v21, v0;
	v19 =	vmul.f32 v19, v5;
	[tilespmem:s29+$0xC060] =	vst v23;
	s29 =	smov.u32 s28;
	s28 =	smov.u32 s30  }
0x8e: {  	v23 =	vld [tilespmem:s28+$0x4000];
	v22 =	vadd.f32 v22, v3;
	v17 =	vmul.f32 v17, v8;
	[tilespmem:s29+$0xC070] =	vst v24  }
0x8f: {  	v24 =	vld [tilespmem:s28+$0x4010];
	[tilespmem:s29+$0xC000] =	vst v21;
	v21 =	vadd.f32 v19, v4;
	v16 =	vmul.f32 v16, v11  }
.Ltmp1:
0x90: {  	v19 =	vld [tilespmem:s28+$0x4020];
	[tilespmem:s29+$0xC010] =	vst v22;
	v22 =	vadd.f32 v17, v9;
	v18 =	vmul.f32 v18, v12;
	(pc) =	sbr.rel @p0 .LBB2_4-.Ltmp1, $4  }
0x91: {  	v17 =	vld [tilespmem:s28+$0x4030];
	[tilespmem:s29+$0xC020] =	vst v21;
	v26 =	vadd.f32 v16, v10;
	v20 =	vmul.f32 v20, v14  }
0x92: {  	v16 =	vld [tilespmem:s28+$0x4040];
	v25 =	vmul.f32 v25, v6;
	[tilespmem:s29+$0xC030] =	vst v22;
	v27 =	vadd.f32 v18, v13  }
0x93: {  	v21 =	vmul.f32 v23, v1;
	v18 =	vld [tilespmem:s28+$0x4050];
	[tilespmem:s29+$0xC040] =	vst v26;
	v23 =	vadd.f32 v20, v15  }
0x94: {  	s30 =	sshra.s32 s31, $0x2;
	s31 =	sadd.s32 $0x200, s31;
	v22 =	vmul.f32 v24, v2;
	v20 =	vld [tilespmem:s28+$0x4060];
	v24 =	vadd.f32 v25, v7;
	[tilespmem:s29+$0xC050] =	vst v27  }
0x95: {  	v25 =	vld [tilespmem:s30+$0x4070];
	[tilespmem:s29+$0xC060] =	vst v23;
	v21 =	vadd.f32 v21, v0;
	v19 =	vmul.f32 v19, v5  }
0x96: {  	v23 =	vld [tilespmem:s30+$0x4000];
	[tilespmem:s28+$0xC070] =	vst v24;
	v22 =	vadd.f32 v22, v3;
	v17 =	vmul.f32 v17, v8  }
0x97: {  	v24 =	vld [tilespmem:s30+$0x4010];
	[tilespmem:s28+$0xC000] =	vst v21;
	v19 =	vadd.f32 v19, v4  }
0x98: {  	v16 =	vmul.f32 v16, v11;
	v21 =	vld [tilespmem:s30+$0x4020];
	[tilespmem:s28+$0xC010] =	vst v22;
	v17 =	vadd.f32 v17, v9  }
0x99: {  	v18 =	vmul.f32 v18, v12;
	v22 =	vld [tilespmem:s30+$0x4030];
	[tilespmem:s28+$0xC020] =	vst v19  }
0x9a: {  	v16 =	vadd.f32 v16, v10;
	v19 =	vld [tilespmem:s30+$0x4040];
	[tilespmem:s28+$0xC030] =	vst v17;
	v17 =	vmul.f32 v20, v14  }
0x9b: {  	v25 =	vmul.f32 v25, v6;
	v18 =	vadd.f32 v18, v13  }
0x9c: {  	v20 =	vld [tilespmem:s30+$0x4050];
	[tilespmem:s28+$0xC040] =	vst v16;
	v16 =	vmul.f32 v23, v1;
	v17 =	vadd.f32 v17, v15  }
0x9d: {  	v23 =	vld [tilespmem:s30+$0x4060];
	v24 =	vmul.f32 v24, v2;
	v25 =	vadd.f32 v25, v7;
	[tilespmem:s28+$0xC050] =	vst v18  }
0x9e: {  	v16 =	vadd.f32 v16, v0;
	v18 =	vmul.f32 v21, v5;
	[tilespmem:s28+$0xC060] =	vst v17  }
0x9f: {  	v17 =	vadd.f32 v24, v3;
	v21 =	vmul.f32 v22, v8;
	[tilespmem:s30+$0xC070] =	vst v25  }
0xa0: {  	[tilespmem:s30+$0xC000] =	vst v16;
	v16 =	vadd.f32 v18, v4;
	v18 =	vmul.f32 v19, v11  }
0xa1: {  	[tilespmem:s30+$0xC010] =	vst v17;
	v17 =	vadd.f32 v21, v9;
	v19 =	vmul.f32 v20, v12  }
0xa2: {  	[tilespmem:s30+$0xC020] =	vst v16;
	v16 =	vadd.f32 v18, v10;
	v18 =	vmul.f32 v23, v14  }
0xa3: {  	[tilespmem:s30+$0xC030] =	vst v17;
	v17 =	vadd.f32 v19, v13  }
0xa4: {  	[tilespmem:s30+$0xC040] =	vst v16;
	v16 =	vadd.f32 v18, v15  }
0xa5: {  	[tilespmem:s30+$0xC050] =	vst v17  }
0xa6: {  	s28 =	simm.s32 $0x0;
	[tilespmem:s30+$0xC060] =	vst v16  }
0xa7: {  	[hbm4b:s10+s28] =	stream.linear.scatter [tilespmem:s23], [sflag:$0x4], $0x4000, $0x38;
	[tilespmem:$0x10280] =	vst v63  }
0xa8: {  	_ = 	snop  }
0xa9: {  	[tilespmem:s19], [sflag:$0x2] =	stream.linear.gather [hbm4b:s11+s28], $0x4000, $0x38;
	[tilespmem:$0x10280] =	vst v63  }
0xaa: {  	_ =	swait.ge [sflag:s20], $0x4000  }
0xab: {  	[sflag:s20] =	ssyncset.done $0x0  }
0xac: {  	[sflag:s20] =	ssyncadd.s32 $0xFFFFC000  }
0xad: {  	_ =	swait.ge [sflag:s24], $0x4000  }
0xae: {  	[sflag:s24] =	ssyncset.done $0x0  }
0xaf: {  	s29 =	simm.s32 $0x0;
	[sflag:s24] =	ssyncadd.s32 $0xFFFFC000  }
0xb0: {  	v16 =	vld [tilespmem:s29+$0x70]  }
0xb1: {  	v17 =	vld [tilespmem:s29+$0x0]  }
0xb2: {  	v18 =	vld [tilespmem:s29+$0x10]  }
0xb3: {  	v19 =	vld [tilespmem:s29+$0x20]  }
0xb4: {  	v20 =	vld [tilespmem:s29+$0x30]  }
0xb5: {  	v21 =	vld [tilespmem:s29+$0x40];
	v16 =	vmul.f32 v16, v6  }
0xb6: {  	v22 =	vld [tilespmem:s29+$0x50];
	v17 =	vmul.f32 v17, v1  }
0xb7: {  	s28 =	simm.s32 $0x80;
	v23 =	vld [tilespmem:s29+$0x60];
	v18 =	vmul.f32 v18, v2;
	v16 =	vadd.f32 v16, v7  }
0xb8: {  	v24 =	vld [tilespmem:s28+$0x70];
	v17 =	vadd.f32 v17, v0  }
0xb9: {  	v25 =	vld [tilespmem:s28+$0x0];
	v18 =	vadd.f32 v18, v3;
	[tilespmem:s29+$0x8070] =	vst v16;
	v16 =	vmul.f32 v19, v5  }
0xba: {  	v20 =	vmul.f32 v20, v8;
	v26 =	vld [tilespmem:s28+$0x10];
	[tilespmem:s29+$0x8000] =	vst v17  }
0xbb: {  	v19 =	vld [tilespmem:s28+$0x20];
	v16 =	vadd.f32 v16, v4;
	[tilespmem:s29+$0x8010] =	vst v18;
	v18 =	vmul.f32 v21, v11  }
0xbc: {  	v20 =	vadd.f32 v20, v9;
	v21 =	vmul.f32 v22, v12  }
0xbd: {  	v23 =	vmul.f32 v23, v14;
	v17 =	vld [tilespmem:s28+$0x30];
	[tilespmem:s29+$0x8020] =	vst v16;
	v22 =	vadd.f32 v18, v10  }
0xbe: {  	v24 =	vmul.f32 v24, v6;
	v27 =	vadd.f32 v21, v13;
	v16 =	vld [tilespmem:s28+$0x40];
	[tilespmem:s29+$0x8030] =	vst v20  }
0xbf: {  	v23 =	vadd.f32 v23, v15;
	v21 =	vmul.f32 v25, v1;
	v18 =	vld [tilespmem:s28+$0x50];
	[tilespmem:s29+$0x8040] =	vst v22  }
0xc0: {  	s31 =	simm.s32 $0x600;
	s30 =	simm.s32 $0x100;
	v24 =	vadd.f32 v24, v7;
	v22 =	vmul.f32 v26, v2;
	v20 =	vld [tilespmem:s28+$0x60];
	[tilespmem:s29+$0x8050] =	vst v27  }
.LBB2_6:
0xc1: {  	p0 =	sne.s32 s31, $0xFE00;
	v25 =	vld [tilespmem:s30+$0x70];
	v21 =	vadd.f32 v21, v0;
	v19 =	vmul.f32 v19, v5;
	[tilespmem:s29+$0x8060] =	vst v23;
	s29 =	smov.u32 s28;
	s28 =	smov.u32 s30  }
0xc2: {  	v23 =	vld [tilespmem:s28+$0x0];
	v22 =	vadd.f32 v22, v3;
	v17 =	vmul.f32 v17, v8;
	[tilespmem:s29+$0x8070] =	vst v24  }
0xc3: {  	v24 =	vld [tilespmem:s28+$0x10];
	[tilespmem:s29+$0x8000] =	vst v21;
	v21 =	vadd.f32 v19, v4;
	v16 =	vmul.f32 v16, v11  }
.Ltmp2:
0xc4: {  	v19 =	vld [tilespmem:s28+$0x20];
	[tilespmem:s29+$0x8010] =	vst v22;
	v22 =	vadd.f32 v17, v9;
	v18 =	vmul.f32 v18, v12;
	(pc) =	sbr.rel @p0 .LBB2_6-.Ltmp2, $4  }
0xc5: {  	v17 =	vld [tilespmem:s28+$0x30];
	[tilespmem:s29+$0x8020] =	vst v21;
	v26 =	vadd.f32 v16, v10;
	v20 =	vmul.f32 v20, v14  }
0xc6: {  	v16 =	vld [tilespmem:s28+$0x40];
	v25 =	vmul.f32 v25, v6;
	[tilespmem:s29+$0x8030] =	vst v22;
	v27 =	vadd.f32 v18, v13  }
0xc7: {  	v21 =	vmul.f32 v23, v1;
	v18 =	vld [tilespmem:s28+$0x50];
	[tilespmem:s29+$0x8040] =	vst v26;
	v23 =	vadd.f32 v20, v15  }
0xc8: {  	s30 =	sshra.s32 s31, $0x2;
	s31 =	sadd.s32 $0x200, s31;
	v22 =	vmul.f32 v24, v2;
	v20 =	vld [tilespmem:s28+$0x60];
	v24 =	vadd.f32 v25, v7;
	[tilespmem:s29+$0x8050] =	vst v27  }
0xc9: {  	v25 =	vld [tilespmem:s30+$0x70];
	[tilespmem:s29+$0x8060] =	vst v23;
	v21 =	vadd.f32 v21, v0;
	v19 =	vmul.f32 v19, v5  }
0xca: {  	v23 =	vld [tilespmem:s30+$0x0];
	[tilespmem:s28+$0x8070] =	vst v24;
	v22 =	vadd.f32 v22, v3;
	v17 =	vmul.f32 v17, v8  }
0xcb: {  	v24 =	vld [tilespmem:s30+$0x10];
	[tilespmem:s28+$0x8000] =	vst v21;
	v19 =	vadd.f32 v19, v4  }
0xcc: {  	v16 =	vmul.f32 v16, v11;
	v21 =	vld [tilespmem:s30+$0x20];
	[tilespmem:s28+$0x8010] =	vst v22;
	v17 =	vadd.f32 v17, v9  }
0xcd: {  	v18 =	vmul.f32 v18, v12;
	v22 =	vld [tilespmem:s30+$0x30];
	[tilespmem:s28+$0x8020] =	vst v19  }
0xce: {  	v16 =	vadd.f32 v16, v10;
	v19 =	vld [tilespmem:s30+$0x40];
	[tilespmem:s28+$0x8030] =	vst v17;
	v17 =	vmul.f32 v20, v14  }
0xcf: {  	v25 =	vmul.f32 v25, v6;
	v18 =	vadd.f32 v18, v13  }
0xd0: {  	v20 =	vld [tilespmem:s30+$0x50];
	[tilespmem:s28+$0x8040] =	vst v16;
	v16 =	vmul.f32 v23, v1;
	v17 =	vadd.f32 v17, v15  }
0xd1: {  	v23 =	vld [tilespmem:s30+$0x60];
	v24 =	vmul.f32 v24, v2;
	v25 =	vadd.f32 v25, v7;
	[tilespmem:s28+$0x8050] =	vst v18  }
0xd2: {  	v16 =	vadd.f32 v16, v0;
	v18 =	vmul.f32 v21, v5;
	[tilespmem:s28+$0x8060] =	vst v17  }
0xd3: {  	v17 =	vadd.f32 v24, v3;
	v21 =	vmul.f32 v22, v8;
	[tilespmem:s30+$0x8070] =	vst v25  }
0xd4: {  	[tilespmem:s30+$0x8000] =	vst v16;
	v16 =	vadd.f32 v18, v4;
	v18 =	vmul.f32 v19, v11  }
0xd5: {  	[tilespmem:s30+$0x8010] =	vst v17;
	v17 =	vadd.f32 v21, v9;
	v19 =	vmul.f32 v20, v12  }
0xd6: {  	[tilespmem:s30+$0x8020] =	vst v16;
	v16 =	vadd.f32 v18, v10;
	v18 =	vmul.f32 v23, v14  }
0xd7: {  	[tilespmem:s30+$0x8030] =	vst v17;
	v17 =	vadd.f32 v19, v13  }
0xd8: {  	[tilespmem:s30+$0x8040] =	vst v16;
	v16 =	vadd.f32 v18, v15  }
0xd9: {  	[tilespmem:s30+$0x8050] =	vst v17  }
0xda: {  	s28 =	simm.s32 $0x0;
	[tilespmem:s30+$0x8060] =	vst v16  }
0xdb: {  	[hbm4b:s12+s28] =	stream.linear.scatter [tilespmem:s21], [sflag:$0x3], $0x4000, $0x38;
	[tilespmem:$0x10280] =	vst v63  }
0xdc: {  	_ =	swait.ge [sflag:s22], $0x4000  }
0xdd: {  	[sflag:s22] =	ssyncset.done $0x0  }
0xde: {  	[sflag:s22] =	ssyncadd.s32 $0xFFFFC000  }
0xdf: {  	_ =	swait.ge [sflag:s25], $0x4000  }
0xe0: {  	[sflag:s25] =	ssyncset.done $0x0  }
0xe1: {  	s29 =	simm.s32 $0x0;
	[sflag:s25] =	ssyncadd.s32 $0xFFFFC000  }
0xe2: {  	v16 =	vld [tilespmem:s29+$0x4070]  }
0xe3: {  	v17 =	vld [tilespmem:s29+$0x4000]  }
0xe4: {  	v18 =	vld [tilespmem:s29+$0x4010]  }
0xe5: {  	v19 =	vld [tilespmem:s29+$0x4020]  }
0xe6: {  	v20 =	vld [tilespmem:s29+$0x4030]  }
0xe7: {  	v21 =	vld [tilespmem:s29+$0x4040];
	v16 =	vmul.f32 v16, v6  }
0xe8: {  	v22 =	vld [tilespmem:s29+$0x4050];
	v17 =	vmul.f32 v17, v1  }
0xe9: {  	s28 =	simm.s32 $0x80;
	v23 =	vld [tilespmem:s29+$0x4060];
	v18 =	vmul.f32 v18, v2;
	v16 =	vadd.f32 v16, v7  }
0xea: {  	v24 =	vld [tilespmem:s28+$0x4070];
	v17 =	vadd.f32 v17, v0  }
0xeb: {  	v25 =	vld [tilespmem:s28+$0x4000];
	v18 =	vadd.f32 v18, v3;
	[tilespmem:s29+$0xC070] =	vst v16;
	v16 =	vmul.f32 v19, v5  }
0xec: {  	v20 =	vmul.f32 v20, v8;
	v26 =	vld [tilespmem:s28+$0x4010];
	[tilespmem:s29+$0xC000] =	vst v17  }
0xed: {  	v19 =	vld [tilespmem:s28+$0x4020];
	v16 =	vadd.f32 v16, v4;
	[tilespmem:s29+$0xC010] =	vst v18;
	v18 =	vmul.f32 v21, v11  }
0xee: {  	v20 =	vadd.f32 v20, v9;
	v21 =	vmul.f32 v22, v12  }
0xef: {  	v23 =	vmul.f32 v23, v14;
	v17 =	vld [tilespmem:s28+$0x4030];
	[tilespmem:s29+$0xC020] =	vst v16;
	v22 =	vadd.f32 v18, v10  }
0xf0: {  	v24 =	vmul.f32 v24, v6;
	v27 =	vadd.f32 v21, v13;
	v16 =	vld [tilespmem:s28+$0x4040];
	[tilespmem:s29+$0xC030] =	vst v20  }
0xf1: {  	v23 =	vadd.f32 v23, v15;
	v21 =	vmul.f32 v25, v1;
	v18 =	vld [tilespmem:s28+$0x4050];
	[tilespmem:s29+$0xC040] =	vst v22  }
0xf2: {  	s31 =	simm.s32 $0x600;
	s30 =	simm.s32 $0x100;
	v24 =	vadd.f32 v24, v7;
	v22 =	vmul.f32 v26, v2;
	v20 =	vld [tilespmem:s28+$0x4060];
	[tilespmem:s29+$0xC050] =	vst v27  }
.LBB2_8:
0xf3: {  	p0 =	sne.s32 s31, $0xFE00;
	v25 =	vld [tilespmem:s30+$0x4070];
	v21 =	vadd.f32 v21, v0;
	v19 =	vmul.f32 v19, v5;
	[tilespmem:s29+$0xC060] =	vst v23;
	s29 =	smov.u32 s28;
	s28 =	smov.u32 s30  }
0xf4: {  	v23 =	vld [tilespmem:s28+$0x4000];
	v22 =	vadd.f32 v22, v3;
	v17 =	vmul.f32 v17, v8;
	[tilespmem:s29+$0xC070] =	vst v24  }
0xf5: {  	v24 =	vld [tilespmem:s28+$0x4010];
	[tilespmem:s29+$0xC000] =	vst v21;
	v21 =	vadd.f32 v19, v4;
	v16 =	vmul.f32 v16, v11  }
.Ltmp3:
0xf6: {  	v19 =	vld [tilespmem:s28+$0x4020];
	[tilespmem:s29+$0xC010] =	vst v22;
	v22 =	vadd.f32 v17, v9;
	v18 =	vmul.f32 v18, v12;
	(pc) =	sbr.rel @p0 .LBB2_8-.Ltmp3, $4  }
0xf7: {  	v17 =	vld [tilespmem:s28+$0x4030];
	[tilespmem:s29+$0xC020] =	vst v21;
	v26 =	vadd.f32 v16, v10;
	v20 =	vmul.f32 v20, v14  }
0xf8: {  	v16 =	vld [tilespmem:s28+$0x4040];
	v25 =	vmul.f32 v25, v6;
	[tilespmem:s29+$0xC030] =	vst v22;
	v27 =	vadd.f32 v18, v13  }
0xf9: {  	v21 =	vmul.f32 v23, v1;
	v18 =	vld [tilespmem:s28+$0x4050];
	[tilespmem:s29+$0xC040] =	vst v26;
	v23 =	vadd.f32 v20, v15  }
0xfa: {  	s30 =	sshra.s32 s31, $0x2;
	s31 =	sadd.s32 $0x200, s31;
	v22 =	vmul.f32 v24, v2;
	v20 =	vld [tilespmem:s28+$0x4060];
	v24 =	vadd.f32 v25, v7;
	[tilespmem:s29+$0xC050] =	vst v27  }
0xfb: {  	v25 =	vld [tilespmem:s30+$0x4070];
	[tilespmem:s29+$0xC060] =	vst v23;
	v21 =	vadd.f32 v21, v0;
	v19 =	vmul.f32 v19, v5  }
0xfc: {  	v23 =	vld [tilespmem:s30+$0x4000];
	[tilespmem:s28+$0xC070] =	vst v24;
	v22 =	vadd.f32 v22, v3;
	v17 =	vmul.f32 v17, v8  }
0xfd: {  	v24 =	vld [tilespmem:s30+$0x4010];
	[tilespmem:s28+$0xC000] =	vst v21;
	v19 =	vadd.f32 v19, v4;
	v16 =	vmul.f32 v16, v11  }
0xfe: {  	v21 =	vld [tilespmem:s30+$0x4020];
	[tilespmem:s28+$0xC010] =	vst v22;
	v17 =	vadd.f32 v17, v9;
	v18 =	vmul.f32 v18, v12  }
0xff: {  	v22 =	vld [tilespmem:s30+$0x4030];
	[tilespmem:s28+$0xC020] =	vst v19;
	v16 =	vadd.f32 v16, v10;
	v49 =	vmul.f32 v20, v14  }
0x100: {  	v19 =	vld [tilespmem:s30+$0x4040];
	[tilespmem:s28+$0xC030] =	vst v17;
	v6 =	vmul.f32 v25, v6;
	v18 =	vadd.f32 v18, v13  }
0x101: {  	v50 =	vld [tilespmem:s30+$0x4050];
	[tilespmem:s28+$0xC040] =	vst v16;
	v1 =	vmul.f32 v23, v1;
	v51 =	vadd.f32 v49, v15  }
0x102: {  	v52 =	vld [tilespmem:s30+$0x4060];
	v2 =	vmul.f32 v24, v2;
	v6 =	vadd.f32 v6, v7;
	[tilespmem:s28+$0xC050] =	vst v18  }
0x103: {  	v53 =	vadd.f32 v1, v0;
	v54 =	vmul.f32 v21, v5;
	[tilespmem:s28+$0xC060] =	vst v51  }
0x104: {  	v2 =	vadd.f32 v2, v3;
	v55 =	vmul.f32 v22, v8;
	[tilespmem:s30+$0xC070] =	vst v6  }
0x105: {  	[tilespmem:s30+$0xC000] =	vst v53;
	v56 =	vadd.f32 v54, v4;
	v57 =	vmul.f32 v19, v11  }
0x106: {  	[tilespmem:s30+$0xC010] =	vst v2;
	v58 =	vadd.f32 v55, v9;
	v59 =	vmul.f32 v50, v12  }
0x107: {  	[tilespmem:s30+$0xC020] =	vst v56;
	v60 =	vadd.f32 v57, v10;
	v61 =	vmul.f32 v52, v14  }
0x108: {  	[tilespmem:s30+$0xC030] =	vst v58;
	v62 =	vadd.f32 v59, v13  }
0x109: {  	[tilespmem:s30+$0xC040] =	vst v60;
	v63 =	vadd.f32 v61, v15  }
0x10a: {  	[tilespmem:s30+$0xC050] =	vst v62  }
0x10b: {  	s26 =	sadd.s32 $0x1, s26;
	[tilespmem:s30+$0xC060] =	vst v63  }
0x10c: {  	[hbm4b:s13+s4] =	stream.linear.scatter [tilespmem:s23], [sflag:$0x4], $0x4000, $0x38;
	[tilespmem:$0x10280] =	vst v63  }
0x10d: {  	p0 =	sne.s32 s26, s14;
	_ =	swait.ge [sflag:s24], $0x4000  }
.Ltmp4:
0x10e: {  	[sflag:s24] =	ssyncset.done $0x0;
	(pc) =	sbr.rel @p0 .LBB2_1-.Ltmp4, $4  }
0x10f: {  	[sflag:s24] =	ssyncadd.s32 $0xFFFFC000  }
0x110: {  	_ =	swait.ge [sflag:s25], $0x4000  }
0x111: {  	[sflag:s25] =	ssyncset.done $0x0  }
0x112: {  	[sflag:s25] =	ssyncadd.s32 $0xFFFFC000  }
0x113: {  	_ =	sfence.sel $0x180000  }
0x114: {  	[bflag:$0x0] =	sbarrier.arrive $0xFFFF  }
0x115: {  	p0 =	sne.s32 s3, $0x0;
	_ =	strace $0x90000047  }
0x116: {  	s0 =	sadd.s32 @!p0 $0x100000, s0;
	[bflag:$0x2] =	sbarrier.arrive $0xFFFF  }
0x117: {  	[sflag:s0] =	ssyncadd.tile.s32 @!p0 $0x1;
	_ =	shalt  }
.Lfunc_end2:
_tile_overlayer_lowered:
.L_overlay_start_2:
0x118: {  	(tag) =	ssettag $0x2  }
0x119: {  	s0 =	rddreg [dreg:$0x0];
	s2 =	stileid.u32  }
0x11a: {  	s1 =	rddreg [dreg:$0x1];
	p0 =	sne.s32 s2, $0x0  }
0x11b: {  	s3 =	rddreg [dreg:$0x2];
	[bflag:$0x3] =	sbarrier.arrive $0xFFFF;
	s2 =	simm.s32 @!p0 $0x1C05  }
0x11c: {  	[timem:s3], [sflag:s2] =	dma.local @!p0 [hbm:s0], s1  }
0x11d: {  	s0 =	simm.s32 @!p0 $0x5  }
0x11e: {  	_ =	swait.ge @!p0 [sflag:s0], s1  }
0x11f: {  	s1 =	ssub.s32 @!p0 $0x0, s1;
	[sflag:s0] =	ssyncset.done @!p0 $0x0  }
0x120: {  	[sflag:s0] =	ssyncadd.s32 @!p0 s1  }
0x121: {  	[bflag:$0x3] =	sbarrier.arrive $0xFFFF  }
0x122: {  	_ =	shalt  }

</sc_bundles>
